<compile_context>
chip_gen: v7x
topology: tpu7x:2x2x1
jax: 0.10.2.dev20260603
libtpu: 0.0.44.dev20260713+nightly
codegen_flags: <defaults>
</compile_context>

<pallas_src>
import dataclasses
import functools

import jax
import jax.numpy as jnp
from jax import lax
from jax.experimental import pallas as pl
from jax.experimental.pallas import tpu as pltpu
from jax.experimental.pallas import tpu_sc as plsc

NC = 2
NS = 16
NW = NC * NS

B = 8192
D = 4096
BPW = B // NW
NBUF = 4
NFB = 4


def _sc_embed(ids_flat, wte3):
    mesh = plsc.VectorSubcoreMesh(core_axis_name="c", subcore_axis_name="s")
    cp = pltpu.CompilerParams()
    if "needs_layout_passes" in pltpu.CompilerParams.__dataclass_fields__:
        cp = dataclasses.replace(cp, needs_layout_passes=False)

    @functools.partial(
        pl.kernel,
        compiler_params=cp,
        out_type=jax.ShapeDtypeStruct((B * D,), jnp.float32),
        mesh=mesh,
        scratch_types=(
            [pltpu.VMEM((BPW,), jnp.int32)]
            + [pltpu.VMEM((8, D), jnp.bfloat16)] * NBUF
            + [pltpu.VMEM((D,), jnp.float32)] * NFB
            + [pltpu.SemaphoreType.DMA] * (NBUF + NFB)
        ),
    )
    def k(ids_hbm, wte_hbm, out_hbm, idx_v, *bufs):
        slabs = bufs[:NBUF]
        fouts = bufs[NBUF:NBUF + NFB]
        gsem = bufs[NBUF + NFB:2 * NBUF + NFB]
        wsem = bufs[2 * NBUF + NFB:]
        wid = lax.axis_index("s") * NC + lax.axis_index("c")
        base = wid * BPW
        pltpu.sync_copy(ids_hbm.at[pl.ds(base, BPW)], idx_v)

        lanes = lax.iota(jnp.int32, 16)
        himask = jnp.uint32(0xFFFF0000)

        def row_of(u):
            tv = idx_v[pl.ds((u >> 4) * 16, 16)]
            return jnp.sum(jnp.where(lanes == (u & 15), tv, 0))

        for b in range(NBUF):
            pltpu.make_async_copy(
                wte_hbm.at[row_of(b) >> 3], slabs[b], gsem[b]
            ).start()

        @pl.loop(0, BPW // NBUF)
        def _chunk(cc):
            for b in range(NBUF):
                t = cc * NBUF + b
                pltpu.make_async_copy(
                    wte_hbm.at[0], slabs[b], gsem[b]
                ).wait()

                row = row_of(t)
                r = row & 7
                sh = jnp.where((r & 1) == 0, 16, 0).astype(jnp.uint32)
                fb = b % NFB

                @pl.when(t >= NFB)
                def _():
                    pltpu.make_async_copy(
                        fouts[fb], out_hbm.at[pl.ds(0, D)], wsem[fb]
                    ).wait()

                @plsc.parallel_loop(0, D // 16, unroll=8)
                def _col(j, r=r, sh=sh, fb=fb, b=b):
                    x = slabs[b][r, pl.ds(j * 16, 32)]
                    w = plsc.bitcast(x, jnp.uint32)
                    y = plsc.bitcast((w << sh) & himask, jnp.float32)
                    plsc.store_scatter(fouts[fb], [j * 16 + lanes], y)

                pltpu.make_async_copy(
                    fouts[fb], out_hbm.at[pl.ds((base + t) * D, D)],
                    wsem[fb],
                ).start()

                @pl.when(t + NBUF < BPW)
                def _():
                    pltpu.make_async_copy(
                        wte_hbm.at[row_of(t + NBUF) >> 3], slabs[b],
                        gsem[b],
                    ).start()

        for fb in range(NFB):
            pltpu.make_async_copy(
                fouts[fb], out_hbm.at[pl.ds(0, D)], wsem[fb]
            ).wait()

    return k(ids_flat, wte3)


def kernel(input_ids, wte):
    ids_flat = input_ids.reshape(-1).astype(jnp.int32)
    wte3 = wte.reshape(wte.shape[0] // 8, 8, D)
    out = _sc_embed(ids_flat, wte3)
    return out.reshape(input_ids.shape[0], input_ids.shape[1], D)

# --- scband reference (transcript-rebuilt; emitter-appended) ---
"""Pipeline reference for scband-embedding-91156385890441 (READ-ONLY COPY).

The authoritative reference and input builder live on the scoring server;
editing this copy changes nothing except your own understanding.
"""

import jax, jax.numpy as jnp
import numpy as np

VOCAB = 151936
D_MODEL = 4096
BATCH = 2
SEQ = 4096


def setup_inputs(seed: int = 0) -> dict:
    key = jax.random.key(seed)
    k_ids, k_wte = jax.random.split(key)
    input_ids = jax.random.randint(k_ids, (BATCH, SEQ), 0, VOCAB, dtype=jnp.int64 if jax.config.jax_enable_x64 else jnp.int32).astype(jnp.int32)
    # Qwen-7B stores the embedding table in bfloat16
    wte = (jax.random.normal(k_wte, (VOCAB, D_MODEL), dtype=jnp.float32) * 0.02).astype(jnp.bfloat16)
    return {"input_ids": input_ids, "wte": wte}


def reference(input_ids, wte):
    # out = transformer.wte(input_ids); return out.float()
    out = jnp.take(wte, input_ids, axis=0)
    return out.astype(jnp.float32)

if __name__ == "__main__":
    import jax
    _d = setup_inputs()
    print(jax.jit(kernel)(*tuple(_d.values())))

</pallas_src>

<mosaic_0001>
#map = affine_map<(d0, d1) -> (0)>
#map1 = affine_map<(d0, d1) -> (0, 0, 0)>
module attributes {stable_mosaic.version = 14 : i64} {
  func.func @k(%arg0: i32, %arg1: i32, %arg2: memref<8192xi32, #tpu.memory_space<hbm>>, %arg3: memref<18992x8x4096xbf16, #tpu.memory_space<hbm>>, %arg4: memref<33554432xf32, #tpu.memory_space<hbm>>, %arg5: memref<256xi32, #tpu.memory_space<vmem>>, %arg6: memref<8x4096xbf16, #tpu.memory_space<vmem>>, %arg7: memref<8x4096xbf16, #tpu.memory_space<vmem>>, %arg8: memref<8x4096xbf16, #tpu.memory_space<vmem>>, %arg9: memref<8x4096xbf16, #tpu.memory_space<vmem>>, %arg10: memref<4096xf32, #tpu.memory_space<vmem>>, %arg11: memref<4096xf32, #tpu.memory_space<vmem>>, %arg12: memref<4096xf32, #tpu.memory_space<vmem>>, %arg13: memref<4096xf32, #tpu.memory_space<vmem>>, %arg14: memref<!tpu.dma_semaphore, #tpu.memory_space<semaphore_mem>>, %arg15: memref<!tpu.dma_semaphore, #tpu.memory_space<semaphore_mem>>, %arg16: memref<!tpu.dma_semaphore, #tpu.memory_space<semaphore_mem>>, %arg17: memref<!tpu.dma_semaphore, #tpu.memory_space<semaphore_mem>>, %arg18: memref<!tpu.dma_semaphore, #tpu.memory_space<semaphore_mem>>, %arg19: memref<!tpu.dma_semaphore, #tpu.memory_space<semaphore_mem>>, %arg20: memref<!tpu.dma_semaphore, #tpu.memory_space<semaphore_mem>>, %arg21: memref<!tpu.dma_semaphore, #tpu.memory_space<semaphore_mem>>) attributes {dimension_semantics = [#tpu.dimension_semantics<core_parallel>, #tpu.dimension_semantics<subcore_parallel>], iteration_bounds = array<i64: 2, 16>, scalar_prefetch = 0 : i64, scratch_operands = 17 : i64, tpu.core_type = #tpu.core_type<sc_vector_subcore>, window_params = [{transform_indices = #map}, {transform_indices = #map1}, {transform_indices = #map}]} {
    %mul3A = arith.constant 2 : i32
    %mul3A_0 = arith.muli %arg1, %mul3A : i32
    %add3A = arith.addi %mul3A_0, %arg0 : i32
    %mul3A_1 = arith.constant 256 : i32
    %mul3A_2 = arith.muli %add3A, %mul3A_1 : i32
    "tpu.region"() ({
      %run_scoped3A = tpu.sem_alloc : memref<!tpu.dma_semaphore, #tpu.memory_space<semaphore_mem>>
      %dma_start3A_103 = tpu.memref_slice %arg2[%mul3A_2] : memref<8192xi32, #tpu.memory_space<hbm>> -> memref<256xi32, #tpu.memory_space<hbm>>
      %dma_start3A_104 = tpu.memref_slice %arg2[%mul3A_2] : memref<8192xi32, #tpu.memory_space<hbm>> -> memref<256xi32, #tpu.memory_space<hbm>>
      tpu.enqueue_dma source(%dma_start3A_104 : memref<256xi32, #tpu.memory_space<hbm>>) target(%arg5 : memref<256xi32, #tpu.memory_space<vmem>>) target_semaphore(%run_scoped3A : memref<!tpu.dma_semaphore, #tpu.memory_space<semaphore_mem>>)
      %dma_wait3A_105 = tpu.memref_slice %arg2[%mul3A_2] : memref<8192xi32, #tpu.memory_space<hbm>> -> memref<256xi32, #tpu.memory_space<hbm>>
      %dma_wait3A_106 = tpu.memref_slice %arg2[%mul3A_2] : memref<8192xi32, #tpu.memory_space<hbm>> -> memref<256xi32, #tpu.memory_space<hbm>>
      tpu.wait_dma2 semaphore(%run_scoped3A : memref<!tpu.dma_semaphore, #tpu.memory_space<semaphore_mem>>) src(%dma_wait3A_106 : memref<256xi32, #tpu.memory_space<hbm>>) dst(%arg5 : memref<256xi32, #tpu.memory_space<vmem>>)
      tpu.yield
    }) : () -> ()
    %iota3A = tpu.iota {dimensions = array<i32: 0>} : vector<16xi32>
    %get3A = arith.constant 0 : index
    %get3A_3 = tpu.vector_load %arg5[%get3A] {strides = array<i32>} : memref<256xi32, #tpu.memory_space<vmem>>, vector<16xi32>,
    %eq3A = arith.constant 0 : i32
    %eq3A_4 = vector.broadcast %eq3A : i32 to vector<16xi32>
    %eq3A_5 = arith.cmpi eq, %iota3A, %eq3A_4 : vector<16xi32>
    %jit3A = arith.constant 0 : i32
    %broadcast_in_dim3A = vector.broadcast %jit3A : i32 to vector<16xi32>
    %select_n3A = arith.select %eq3A_5, %get3A_3, %broadcast_in_dim3A : vector<16xi1>, vector<16xi32>
    %reduce_sum3A = arith.constant true
    %reduce_sum3A_6 = vector.broadcast %reduce_sum3A : i1 to vector<16xi1>
    %reduce_sum3A_7 = tpu.scan <sum>, %select_n3A masked %reduce_sum3A_6 : vector<16xi32>, vector<16xi1> -> vector<16xi32>
    %reduce_sum3A_8 = vector.extract %reduce_sum3A_7[15] : i32 from vector<16xi32>
    %shift_right_arithmetic3A = arith.constant 3 : i32
    %shift_right_arithmetic3A_9 = arith.shrsi %reduce_sum3A_8, %shift_right_arithmetic3A : i32
    %dma_start3A = arith.constant 0 : i32
    %dma_start3A_10 = arith.constant 0 : i32
    %dma_start3A_11 = tpu.memref_slice %arg3[%shift_right_arithmetic3A_9, %dma_start3A, %dma_start3A_10] : memref<18992x8x4096xbf16, #tpu.memory_space<hbm>> -> memref<1x8x4096xbf16, #tpu.memory_space<hbm>>
    %dma_start3A_12 = tpu.memref_squeeze %dma_start3A_11 : memref<1x8x4096xbf16, #tpu.memory_space<hbm>> -> memref<8x4096xbf16, #tpu.memory_space<hbm>>
    %dma_start3A_13 = arith.constant 0 : i32
    %dma_start3A_14 = arith.constant 0 : i32
    %dma_start3A_15 = tpu.memref_slice %arg3[%shift_right_arithmetic3A_9, %dma_start3A_13, %dma_start3A_14] : memref<18992x8x4096xbf16, #tpu.memory_space<hbm>> -> memref<1x8x4096xbf16, #tpu.memory_space<hbm>>
    %dma_start3A_16 = tpu.memref_squeeze %dma_start3A_15 : memref<1x8x4096xbf16, #tpu.memory_space<hbm>> -> memref<8x4096xbf16, #tpu.memory_space<hbm>>
    tpu.enqueue_dma source(%dma_start3A_16 : memref<8x4096xbf16, #tpu.memory_space<hbm>>) target(%arg6 : memref<8x4096xbf16, #tpu.memory_space<vmem>>) target_semaphore(%arg14 : memref<!tpu.dma_semaphore, #tpu.memory_space<semaphore_mem>>)
    %get3A_17 = arith.constant 0 : index
    %get3A_18 = tpu.vector_load %arg5[%get3A_17] {strides = array<i32>} : memref<256xi32, #tpu.memory_space<vmem>>, vector<16xi32>,
    %eq3A_19 = arith.constant 1 : i32
    %eq3A_20 = vector.broadcast %eq3A_19 : i32 to vector<16xi32>
    %eq3A_21 = arith.cmpi eq, %iota3A, %eq3A_20 : vector<16xi32>
    %jit3A_22 = arith.constant 0 : i32
    %broadcast_in_dim3A_23 = vector.broadcast %jit3A_22 : i32 to vector<16xi32>
    %select_n3A_24 = arith.select %eq3A_21, %get3A_18, %broadcast_in_dim3A_23 : vector<16xi1>, vector<16xi32>
    %reduce_sum3A_25 = arith.constant true
    %reduce_sum3A_26 = vector.broadcast %reduce_sum3A_25 : i1 to vector<16xi1>
    %reduce_sum3A_27 = tpu.scan <sum>, %select_n3A_24 masked %reduce_sum3A_26 : vector<16xi32>, vector<16xi1> -> vector<16xi32>
    %reduce_sum3A_28 = vector.extract %reduce_sum3A_27[15] : i32 from vector<16xi32>
    %shift_right_arithmetic3A_29 = arith.constant 3 : i32
    %shift_right_arithmetic3A_30 = arith.shrsi %reduce_sum3A_28, %shift_right_arithmetic3A_29 : i32
    %dma_start3A_31 = arith.constant 0 : i32
    %dma_start3A_32 = arith.constant 0 : i32
    %dma_start3A_33 = tpu.memref_slice %arg3[%shift_right_arithmetic3A_30, %dma_start3A_31, %dma_start3A_32] : memref<18992x8x4096xbf16, #tpu.memory_space<hbm>> -> memref<1x8x4096xbf16, #tpu.memory_space<hbm>>
    %dma_start3A_34 = tpu.memref_squeeze %dma_start3A_33 : memref<1x8x4096xbf16, #tpu.memory_space<hbm>> -> memref<8x4096xbf16, #tpu.memory_space<hbm>>
    %dma_start3A_35 = arith.constant 0 : i32
    %dma_start3A_36 = arith.constant 0 : i32
    %dma_start3A_37 = tpu.memref_slice %arg3[%shift_right_arithmetic3A_30, %dma_start3A_35, %dma_start3A_36] : memref<18992x8x4096xbf16, #tpu.memory_space<hbm>> -> memref<1x8x4096xbf16, #tpu.memory_space<hbm>>
    %dma_start3A_38 = tpu.memref_squeeze %dma_start3A_37 : memref<1x8x4096xbf16, #tpu.memory_space<hbm>> -> memref<8x4096xbf16, #tpu.memory_space<hbm>>
    tpu.enqueue_dma source(%dma_start3A_38 : memref<8x4096xbf16, #tpu.memory_space<hbm>>) target(%arg7 : memref<8x4096xbf16, #tpu.memory_space<vmem>>) target_semaphore(%arg15 : memref<!tpu.dma_semaphore, #tpu.memory_space<semaphore_mem>>)
    %get3A_39 = arith.constant 0 : index
    %get3A_40 = tpu.vector_load %arg5[%get3A_39] {strides = array<i32>} : memref<256xi32, #tpu.memory_space<vmem>>, vector<16xi32>,
    %eq3A_41 = arith.constant 2 : i32
    %eq3A_42 = vector.broadcast %eq3A_41 : i32 to vector<16xi32>
    %eq3A_43 = arith.cmpi eq, %iota3A, %eq3A_42 : vector<16xi32>
    %jit3A_44 = arith.constant 0 : i32
    %broadcast_in_dim3A_45 = vector.broadcast %jit3A_44 : i32 to vector<16xi32>
    %select_n3A_46 = arith.select %eq3A_43, %get3A_40, %broadcast_in_dim3A_45 : vector<16xi1>, vector<16xi32>
    %reduce_sum3A_47 = arith.constant true
    %reduce_sum3A_48 = vector.broadcast %reduce_sum3A_47 : i1 to vector<16xi1>
    %reduce_sum3A_49 = tpu.scan <sum>, %select_n3A_46 masked %reduce_sum3A_48 : vector<16xi32>, vector<16xi1> -> vector<16xi32>
    %reduce_sum3A_50 = vector.extract %reduce_sum3A_49[15] : i32 from vector<16xi32>
    %shift_right_arithmetic3A_51 = arith.constant 3 : i32
    %shift_right_arithmetic3A_52 = arith.shrsi %reduce_sum3A_50, %shift_right_arithmetic3A_51 : i32
    %dma_start3A_53 = arith.constant 0 : i32
    %dma_start3A_54 = arith.constant 0 : i32
    %dma_start3A_55 = tpu.memref_slice %arg3[%shift_right_arithmetic3A_52, %dma_start3A_53, %dma_start3A_54] : memref<18992x8x4096xbf16, #tpu.memory_space<hbm>> -> memref<1x8x4096xbf16, #tpu.memory_space<hbm>>
    %dma_start3A_56 = tpu.memref_squeeze %dma_start3A_55 : memref<1x8x4096xbf16, #tpu.memory_space<hbm>> -> memref<8x4096xbf16, #tpu.memory_space<hbm>>
    %dma_start3A_57 = arith.constant 0 : i32
    %dma_start3A_58 = arith.constant 0 : i32
    %dma_start3A_59 = tpu.memref_slice %arg3[%shift_right_arithmetic3A_52, %dma_start3A_57, %dma_start3A_58] : memref<18992x8x4096xbf16, #tpu.memory_space<hbm>> -> memref<1x8x4096xbf16, #tpu.memory_space<hbm>>
    %dma_start3A_60 = tpu.memref_squeeze %dma_start3A_59 : memref<1x8x4096xbf16, #tpu.memory_space<hbm>> -> memref<8x4096xbf16, #tpu.memory_space<hbm>>
    tpu.enqueue_dma source(%dma_start3A_60 : memref<8x4096xbf16, #tpu.memory_space<hbm>>) target(%arg8 : memref<8x4096xbf16, #tpu.memory_space<vmem>>) target_semaphore(%arg16 : memref<!tpu.dma_semaphore, #tpu.memory_space<semaphore_mem>>)
    %get3A_61 = arith.constant 0 : index
    %get3A_62 = tpu.vector_load %arg5[%get3A_61] {strides = array<i32>} : memref<256xi32, #tpu.memory_space<vmem>>, vector<16xi32>,
    %eq3A_63 = arith.constant 3 : i32
    %eq3A_64 = vector.broadcast %eq3A_63 : i32 to vector<16xi32>
    %eq3A_65 = arith.cmpi eq, %iota3A, %eq3A_64 : vector<16xi32>
    %jit3A_66 = arith.constant 0 : i32
    %broadcast_in_dim3A_67 = vector.broadcast %jit3A_66 : i32 to vector<16xi32>
    %select_n3A_68 = arith.select %eq3A_65, %get3A_62, %broadcast_in_dim3A_67 : vector<16xi1>, vector<16xi32>
    %reduce_sum3A_69 = arith.constant true
    %reduce_sum3A_70 = vector.broadcast %reduce_sum3A_69 : i1 to vector<16xi1>
    %reduce_sum3A_71 = tpu.scan <sum>, %select_n3A_68 masked %reduce_sum3A_70 : vector<16xi32>, vector<16xi1> -> vector<16xi32>
    %reduce_sum3A_72 = vector.extract %reduce_sum3A_71[15] : i32 from vector<16xi32>
    %shift_right_arithmetic3A_73 = arith.constant 3 : i32
    %shift_right_arithmetic3A_74 = arith.shrsi %reduce_sum3A_72, %shift_right_arithmetic3A_73 : i32
    %dma_start3A_75 = arith.constant 0 : i32
    %dma_start3A_76 = arith.constant 0 : i32
    %dma_start3A_77 = tpu.memref_slice %arg3[%shift_right_arithmetic3A_74, %dma_start3A_75, %dma_start3A_76] : memref<18992x8x4096xbf16, #tpu.memory_space<hbm>> -> memref<1x8x4096xbf16, #tpu.memory_space<hbm>>
    %dma_start3A_78 = tpu.memref_squeeze %dma_start3A_77 : memref<1x8x4096xbf16, #tpu.memory_space<hbm>> -> memref<8x4096xbf16, #tpu.memory_space<hbm>>
    %dma_start3A_79 = arith.constant 0 : i32
    %dma_start3A_80 = arith.constant 0 : i32
    %dma_start3A_81 = tpu.memref_slice %arg3[%shift_right_arithmetic3A_74, %dma_start3A_79, %dma_start3A_80] : memref<18992x8x4096xbf16, #tpu.memory_space<hbm>> -> memref<1x8x4096xbf16, #tpu.memory_space<hbm>>
    %dma_start3A_82 = tpu.memref_squeeze %dma_start3A_81 : memref<1x8x4096xbf16, #tpu.memory_space<hbm>> -> memref<8x4096xbf16, #tpu.memory_space<hbm>>
    tpu.enqueue_dma source(%dma_start3A_82 : memref<8x4096xbf16, #tpu.memory_space<hbm>>) target(%arg9 : memref<8x4096xbf16, #tpu.memory_space<vmem>>) target_semaphore(%arg17 : memref<!tpu.dma_semaphore, #tpu.memory_space<semaphore_mem>>)
    %scan3A = arith.constant -65536 : i32
    %scan3A_83 = arith.constant 0 : i32
    %scan3A_84 = arith.constant 64 : i32
    %scan3A_85 = arith.addi %scan3A_83, %scan3A_84 : i32
    %scan3A_86 = arith.constant 1 : i32
    scf.for %scan3A_103 = %scan3A_83 to %scan3A_85 step %scan3A_86  : i32 {
      %mul3A_104 = arith.constant 1 : i32
      %mul3A_105 = arith.muli %scan3A_103, %mul3A_104 : i32
      %add3A_106 = arith.constant 0 : i32
      %add3A_107 = arith.addi %add3A_106, %mul3A_105 : i32
      %mul3A_108 = arith.constant 4 : i32
      %mul3A_109 = arith.muli %add3A_107, %mul3A_108 : i32
      %add3A_110 = arith.constant 0 : i32
      %add3A_111 = arith.addi %mul3A_109, %add3A_110 : i32
      %dma_wait3A_112 = arith.constant 0 : i32
      %dma_wait3A_113 = arith.constant 0 : i32
      %dma_wait3A_114 = arith.constant 0 : i32
      %dma_wait3A_115 = tpu.memref_slice %arg3[%dma_wait3A_112, %dma_wait3A_113, %dma_wait3A_114] : memref<18992x8x4096xbf16, #tpu.memory_space<hbm>> -> memref<1x8x4096xbf16, #tpu.memory_space<hbm>>
      %dma_wait3A_116 = tpu.memref_squeeze %dma_wait3A_115 : memref<1x8x4096xbf16, #tpu.memory_space<hbm>> -> memref<8x4096xbf16, #tpu.memory_space<hbm>>
      %dma_wait3A_117 = arith.constant 0 : i32
      %dma_wait3A_118 = arith.constant 0 : i32
      %dma_wait3A_119 = tpu.memref_slice %arg3[%dma_wait3A_112, %dma_wait3A_117, %dma_wait3A_118] : memref<18992x8x4096xbf16, #tpu.memory_space<hbm>> -> memref<1x8x4096xbf16, #tpu.memory_space<hbm>>
      %dma_wait3A_120 = tpu.memref_squeeze %dma_wait3A_119 : memref<1x8x4096xbf16, #tpu.memory_space<hbm>> -> memref<8x4096xbf16, #tpu.memory_space<hbm>>
      tpu.wait_dma2 semaphore(%arg14 : memref<!tpu.dma_semaphore, #tpu.memory_space<semaphore_mem>>) src(%dma_wait3A_120 : memref<8x4096xbf16, #tpu.memory_space<hbm>>) dst(%arg6 : memref<8x4096xbf16, #tpu.memory_space<vmem>>)
      %shift_right_arithmetic3A_121 = arith.constant 4 : i32
      %shift_right_arithmetic3A_122 = arith.shrsi %add3A_111, %shift_right_arithmetic3A_121 : i32
      %mul3A_123 = arith.constant 16 : i32
      %mul3A_124 = arith.muli %shift_right_arithmetic3A_122, %mul3A_123 : i32
      %get3A_125 = arith.index_cast %mul3A_124 : i32 to index
      %get3A_126 = tpu.vector_load %arg5[%get3A_125] {strides = array<i32>} : memref<256xi32, #tpu.memory_space<vmem>>, vector<16xi32>,
      %and3A = arith.constant 15 : i32
      %and3A_127 = arith.andi %add3A_111, %and3A : i32
      %eq3A_128 = vector.broadcast %and3A_127 : i32 to vector<16xi32>
      %eq3A_129 = arith.cmpi eq, %iota3A, %eq3A_128 : vector<16xi32>
      %jit3A_130 = arith.constant 0 : i32
      %broadcast_in_dim3A_131 = vector.broadcast %jit3A_130 : i32 to vector<16xi32>
      %select_n3A_132 = arith.select %eq3A_129, %get3A_126, %broadcast_in_dim3A_131 : vector<16xi1>, vector<16xi32>
      %reduce_sum3A_133 = arith.constant true
      %reduce_sum3A_134 = vector.broadcast %reduce_sum3A_133 : i1 to vector<16xi1>
      %reduce_sum3A_135 = tpu.scan <sum>, %select_n3A_132 masked %reduce_sum3A_134 : vector<16xi32>, vector<16xi1> -> vector<16xi32>
      %reduce_sum3A_136 = vector.extract %reduce_sum3A_135[15] : i32 from vector<16xi32>
      %and3A_137 = arith.constant 7 : i32
      %and3A_138 = arith.andi %reduce_sum3A_136, %and3A_137 : i32
      %and3A_139 = arith.constant 1 : i32
      %and3A_140 = arith.andi %and3A_138, %and3A_139 : i32
      %eq3A_141 = arith.constant 0 : i32
      %eq3A_142 = arith.cmpi eq, %and3A_140, %eq3A_141 : i32
      %jit3A_143 = arith.constant 16 : i32
      %jit3A_144 = arith.constant 0 : i32
      %select_n3A_145 = arith.select %eq3A_142, %jit3A_143, %jit3A_144 : i32
      %ge3A = arith.constant 4 : i32
      %ge3A_146 = arith.cmpi sge, %add3A_111, %ge3A : i32
      %convert_element_type3A = arith.extui %ge3A_146 : i1 to i32
      %cond3A = arith.constant 0 : i32
      %cond3A_147 = arith.cmpi ne, %convert_element_type3A, %cond3A : i32
      scf.if %cond3A_147 {
        %dma_wait3A_338 = arith.constant 0 : i32
        %dma_wait3A_339 = tpu.memref_slice %arg4[%dma_wait3A_338] : memref<33554432xf32, #tpu.memory_space<hbm>> -> memref<4096xf32, #tpu.memory_space<hbm>>
        %dma_wait3A_340 = arith.constant 0 : i32
        %dma_wait3A_341 = tpu.memref_slice %arg4[%dma_wait3A_340] : memref<33554432xf32, #tpu.memory_space<hbm>> -> memref<4096xf32, #tpu.memory_space<hbm>>
        tpu.wait_dma2 semaphore(%arg18 : memref<!tpu.dma_semaphore, #tpu.memory_space<semaphore_mem>>) src(%arg10 : memref<4096xf32, #tpu.memory_space<vmem>>) dst(%dma_wait3A_341 : memref<4096xf32, #tpu.memory_space<hbm>>)
      } else {
      }
      %parallel_loop3A = arith.constant 0 : i32
      %parallel_loop3A_148 = arith.constant 256 : i32
      %parallel_loop3A_149 = arith.constant 1 : i32
      scf.for %parallel_loop3A_338 = %parallel_loop3A to %parallel_loop3A_148 step %parallel_loop3A_149  : i32 {
        %parallel_loop3A_339 = arith.constant 16 : i32
        %parallel_loop3A_340 = arith.muli %parallel_loop3A_338, %parallel_loop3A_339 : i32
        %parallel_loop3A_341 = arith.index_cast %and3A_138 : i32 to index
        %parallel_loop3A_342 = arith.index_cast %parallel_loop3A_340 : i32 to index
        %parallel_loop3A_343 = tpu.vector_load %arg6[%parallel_loop3A_341, %parallel_loop3A_342] {strides = array<i32>} : memref<8x4096xbf16, #tpu.memory_space<vmem>>, vector<32xbf16>,
        %parallel_loop3A_344 = vector.bitcast %parallel_loop3A_343 : vector<32xbf16> to vector<16xi32>
        %parallel_loop3A_345 = vector.broadcast %select_n3A_145 : i32 to vector<16xi32>
        %parallel_loop3A_346 = arith.shli %parallel_loop3A_344, %parallel_loop3A_345 : vector<16xi32>
        %parallel_loop3A_347 = vector.broadcast %scan3A : i32 to vector<16xi32>
        %parallel_loop3A_348 = arith.andi %parallel_loop3A_346, %parallel_loop3A_347 : vector<16xi32>
        %parallel_loop3A_349 = vector.bitcast %parallel_loop3A_348 : vector<16xi32> to vector<16xf32>
        %parallel_loop3A_350 = arith.constant 16 : i32
        %parallel_loop3A_351 = arith.muli %parallel_loop3A_338, %parallel_loop3A_350 : i32
        %parallel_loop3A_352 = vector.broadcast %parallel_loop3A_351 : i32 to vector<16xi32>
        %parallel_loop3A_353 = arith.addi %parallel_loop3A_352, %iota3A : vector<16xi32>
        tpu.vector_store_idx %arg10[%parallel_loop3A_353], %parallel_loop3A_349 : memref<4096xf32, #tpu.memory_space<vmem>>[vector<16xi32>], vector<16xf32>,
      } {sc.loop_unroll_factor = 8 : i64, sc.parallel_access}
      %add3A_150 = arith.addi %mul3A_2, %add3A_111 : i32
      %mul3A_151 = arith.constant 4096 : i32
      %mul3A_152 = arith.muli %add3A_150, %mul3A_151 : i32
      %dma_start3A_153 = tpu.memref_slice %arg4[%mul3A_152] : memref<33554432xf32, #tpu.memory_space<hbm>> -> memref<4096xf32, #tpu.memory_space<hbm>>
      %dma_start3A_154 = tpu.memref_slice %arg4[%mul3A_152] : memref<33554432xf32, #tpu.memory_space<hbm>> -> memref<4096xf32, #tpu.memory_space<hbm>>
      tpu.enqueue_dma source(%arg10 : memref<4096xf32, #tpu.memory_space<vmem>>) target(%dma_start3A_154 : memref<4096xf32, #tpu.memory_space<hbm>>) target_semaphore(%arg18 : memref<!tpu.dma_semaphore, #tpu.memory_space<semaphore_mem>>)
      %add3A_155 = arith.constant 4 : i32
      %add3A_156 = arith.addi %add3A_111, %add3A_155 : i32
      %lt3A = arith.constant 256 : i32
      %lt3A_157 = arith.cmpi slt, %add3A_156, %lt3A : i32
      %convert_element_type3A_158 = arith.extui %lt3A_157 : i1 to i32
      %cond3A_159 = arith.constant 0 : i32
      %cond3A_160 = arith.cmpi ne, %convert_element_type3A_158, %cond3A_159 : i32
      scf.if %cond3A_160 {
        %add3A_338 = arith.constant 4 : i32
        %add3A_339 = arith.addi %add3A_111, %add3A_338 : i32
        %shift_right_arithmetic3A_340 = arith.constant 4 : i32
        %shift_right_arithmetic3A_341 = arith.shrsi %add3A_339, %shift_right_arithmetic3A_340 : i32
        %mul3A_342 = arith.constant 16 : i32
        %mul3A_343 = arith.muli %shift_right_arithmetic3A_341, %mul3A_342 : i32
        %get3A_344 = arith.index_cast %mul3A_343 : i32 to index
        %get3A_345 = tpu.vector_load %arg5[%get3A_344] {strides = array<i32>} : memref<256xi32, #tpu.memory_space<vmem>>, vector<16xi32>,
        %and3A_346 = arith.constant 15 : i32
        %and3A_347 = arith.andi %add3A_339, %and3A_346 : i32
        %eq3A_348 = vector.broadcast %and3A_347 : i32 to vector<16xi32>
        %eq3A_349 = arith.cmpi eq, %iota3A, %eq3A_348 : vector<16xi32>
        %jit3A_350 = arith.constant 0 : i32
        %broadcast_in_dim3A_351 = vector.broadcast %jit3A_350 : i32 to vector<16xi32>
        %select_n3A_352 = arith.select %eq3A_349, %get3A_345, %broadcast_in_dim3A_351 : vector<16xi1>, vector<16xi32>
        %reduce_sum3A_353 = arith.constant true
        %reduce_sum3A_354 = vector.broadcast %reduce_sum3A_353 : i1 to vector<16xi1>
        %reduce_sum3A_355 = tpu.scan <sum>, %select_n3A_352 masked %reduce_sum3A_354 : vector<16xi32>, vector<16xi1> -> vector<16xi32>
        %reduce_sum3A_356 = vector.extract %reduce_sum3A_355[15] : i32 from vector<16xi32>
        %shift_right_arithmetic3A_357 = arith.constant 3 : i32
        %shift_right_arithmetic3A_358 = arith.shrsi %reduce_sum3A_356, %shift_right_arithmetic3A_357 : i32
        %dma_start3A_359 = arith.constant 0 : i32
        %dma_start3A_360 = arith.constant 0 : i32
        %dma_start3A_361 = tpu.memref_slice %arg3[%shift_right_arithmetic3A_358, %dma_start3A_359, %dma_start3A_360] : memref<18992x8x4096xbf16, #tpu.memory_space<hbm>> -> memref<1x8x4096xbf16, #tpu.memory_space<hbm>>
        %dma_start3A_362 = tpu.memref_squeeze %dma_start3A_361 : memref<1x8x4096xbf16, #tpu.memory_space<hbm>> -> memref<8x4096xbf16, #tpu.memory_space<hbm>>
        %dma_start3A_363 = arith.constant 0 : i32
        %dma_start3A_364 = arith.constant 0 : i32
        %dma_start3A_365 = tpu.memref_slice %arg3[%shift_right_arithmetic3A_358, %dma_start3A_363, %dma_start3A_364] : memref<18992x8x4096xbf16, #tpu.memory_space<hbm>> -> memref<1x8x4096xbf16, #tpu.memory_space<hbm>>
        %dma_start3A_366 = tpu.memref_squeeze %dma_start3A_365 : memref<1x8x4096xbf16, #tpu.memory_space<hbm>> -> memref<8x4096xbf16, #tpu.memory_space<hbm>>
        tpu.enqueue_dma source(%dma_start3A_366 : memref<8x4096xbf16, #tpu.memory_space<hbm>>) target(%arg6 : memref<8x4096xbf16, #tpu.memory_space<vmem>>) target_semaphore(%arg14 : memref<!tpu.dma_semaphore, #tpu.memory_space<semaphore_mem>>)
      } else {
      }
      %mul3A_161 = arith.constant 4 : i32
      %mul3A_162 = arith.muli %add3A_107, %mul3A_161 : i32
      %add3A_163 = arith.constant 1 : i32
      %add3A_164 = arith.addi %mul3A_162, %add3A_163 : i32
      %dma_wait3A_165 = arith.constant 0 : i32
      %dma_wait3A_166 = arith.constant 0 : i32
      %dma_wait3A_167 = arith.constant 0 : i32
      %dma_wait3A_168 = tpu.memref_slice %arg3[%dma_wait3A_165, %dma_wait3A_166, %dma_wait3A_167] : memref<18992x8x4096xbf16, #tpu.memory_space<hbm>> -> memref<1x8x4096xbf16, #tpu.memory_space<hbm>>
      %dma_wait3A_169 = tpu.memref_squeeze %dma_wait3A_168 : memref<1x8x4096xbf16, #tpu.memory_space<hbm>> -> memref<8x4096xbf16, #tpu.memory_space<hbm>>
      %dma_wait3A_170 = arith.constant 0 : i32
      %dma_wait3A_171 = arith.constant 0 : i32
      %dma_wait3A_172 = tpu.memref_slice %arg3[%dma_wait3A_165, %dma_wait3A_170, %dma_wait3A_171] : memref<18992x8x4096xbf16, #tpu.memory_space<hbm>> -> memref<1x8x4096xbf16, #tpu.memory_space<hbm>>
      %dma_wait3A_173 = tpu.memref_squeeze %dma_wait3A_172 : memref<1x8x4096xbf16, #tpu.memory_space<hbm>> -> memref<8x4096xbf16, #tpu.memory_space<hbm>>
      tpu.wait_dma2 semaphore(%arg15 : memref<!tpu.dma_semaphore, #tpu.memory_space<semaphore_mem>>) src(%dma_wait3A_173 : memref<8x4096xbf16, #tpu.memory_space<hbm>>) dst(%arg7 : memref<8x4096xbf16, #tpu.memory_space<vmem>>)
      %shift_right_arithmetic3A_174 = arith.constant 4 : i32
      %shift_right_arithmetic3A_175 = arith.shrsi %add3A_164, %shift_right_arithmetic3A_174 : i32
      %mul3A_176 = arith.constant 16 : i32
      %mul3A_177 = arith.muli %shift_right_arithmetic3A_175, %mul3A_176 : i32
      %get3A_178 = arith.index_cast %mul3A_177 : i32 to index
      %get3A_179 = tpu.vector_load %arg5[%get3A_178] {strides = array<i32>} : memref<256xi32, #tpu.memory_space<vmem>>, vector<16xi32>,
      %and3A_180 = arith.constant 15 : i32
      %and3A_181 = arith.andi %add3A_164, %and3A_180 : i32
      %eq3A_182 = vector.broadcast %and3A_181 : i32 to vector<16xi32>
      %eq3A_183 = arith.cmpi eq, %iota3A, %eq3A_182 : vector<16xi32>
      %jit3A_184 = arith.constant 0 : i32
      %broadcast_in_dim3A_185 = vector.broadcast %jit3A_184 : i32 to vector<16xi32>
      %select_n3A_186 = arith.select %eq3A_183, %get3A_179, %broadcast_in_dim3A_185 : vector<16xi1>, vector<16xi32>
      %reduce_sum3A_187 = arith.constant true
      %reduce_sum3A_188 = vector.broadcast %reduce_sum3A_187 : i1 to vector<16xi1>
      %reduce_sum3A_189 = tpu.scan <sum>, %select_n3A_186 masked %reduce_sum3A_188 : vector<16xi32>, vector<16xi1> -> vector<16xi32>
      %reduce_sum3A_190 = vector.extract %reduce_sum3A_189[15] : i32 from vector<16xi32>
      %and3A_191 = arith.constant 7 : i32
      %and3A_192 = arith.andi %reduce_sum3A_190, %and3A_191 : i32
      %and3A_193 = arith.constant 1 : i32
      %and3A_194 = arith.andi %and3A_192, %and3A_193 : i32
      %eq3A_195 = arith.constant 0 : i32
      %eq3A_196 = arith.cmpi eq, %and3A_194, %eq3A_195 : i32
      %jit3A_197 = arith.constant 16 : i32
      %jit3A_198 = arith.constant 0 : i32
      %select_n3A_199 = arith.select %eq3A_196, %jit3A_197, %jit3A_198 : i32
      %ge3A_200 = arith.constant 4 : i32
      %ge3A_201 = arith.cmpi sge, %add3A_164, %ge3A_200 : i32
      %convert_element_type3A_202 = arith.extui %ge3A_201 : i1 to i32
      %cond3A_203 = arith.constant 0 : i32
      %cond3A_204 = arith.cmpi ne, %convert_element_type3A_202, %cond3A_203 : i32
      scf.if %cond3A_204 {
        %dma_wait3A_338 = arith.constant 0 : i32
        %dma_wait3A_339 = tpu.memref_slice %arg4[%dma_wait3A_338] : memref<33554432xf32, #tpu.memory_space<hbm>> -> memref<4096xf32, #tpu.memory_space<hbm>>
        %dma_wait3A_340 = arith.constant 0 : i32
        %dma_wait3A_341 = tpu.memref_slice %arg4[%dma_wait3A_340] : memref<33554432xf32, #tpu.memory_space<hbm>> -> memref<4096xf32, #tpu.memory_space<hbm>>
        tpu.wait_dma2 semaphore(%arg19 : memref<!tpu.dma_semaphore, #tpu.memory_space<semaphore_mem>>) src(%arg11 : memref<4096xf32, #tpu.memory_space<vmem>>) dst(%dma_wait3A_341 : memref<4096xf32, #tpu.memory_space<hbm>>)
      } else {
      }
      %parallel_loop3A_205 = arith.constant 0 : i32
      %parallel_loop3A_206 = arith.constant 256 : i32
      %parallel_loop3A_207 = arith.constant 1 : i32
      scf.for %parallel_loop3A_338 = %parallel_loop3A_205 to %parallel_loop3A_206 step %parallel_loop3A_207  : i32 {
        %parallel_loop3A_339 = arith.constant 16 : i32
        %parallel_loop3A_340 = arith.muli %parallel_loop3A_338, %parallel_loop3A_339 : i32
        %parallel_loop3A_341 = arith.index_cast %and3A_192 : i32 to index
        %parallel_loop3A_342 = arith.index_cast %parallel_loop3A_340 : i32 to index
        %parallel_loop3A_343 = tpu.vector_load %arg7[%parallel_loop3A_341, %parallel_loop3A_342] {strides = array<i32>} : memref<8x4096xbf16, #tpu.memory_space<vmem>>, vector<32xbf16>,
        %parallel_loop3A_344 = vector.bitcast %parallel_loop3A_343 : vector<32xbf16> to vector<16xi32>
        %parallel_loop3A_345 = vector.broadcast %select_n3A_199 : i32 to vector<16xi32>
        %parallel_loop3A_346 = arith.shli %parallel_loop3A_344, %parallel_loop3A_345 : vector<16xi32>
        %parallel_loop3A_347 = vector.broadcast %scan3A : i32 to vector<16xi32>
        %parallel_loop3A_348 = arith.andi %parallel_loop3A_346, %parallel_loop3A_347 : vector<16xi32>
        %parallel_loop3A_349 = vector.bitcast %parallel_loop3A_348 : vector<16xi32> to vector<16xf32>
        %parallel_loop3A_350 = arith.constant 16 : i32
        %parallel_loop3A_351 = arith.muli %parallel_loop3A_338, %parallel_loop3A_350 : i32
        %parallel_loop3A_352 = vector.broadcast %parallel_loop3A_351 : i32 to vector<16xi32>
        %parallel_loop3A_353 = arith.addi %parallel_loop3A_352, %iota3A : vector<16xi32>
        tpu.vector_store_idx %arg11[%parallel_loop3A_353], %parallel_loop3A_349 : memref<4096xf32, #tpu.memory_space<vmem>>[vector<16xi32>], vector<16xf32>,
      } {sc.loop_unroll_factor = 8 : i64, sc.parallel_access}
      %add3A_208 = arith.addi %mul3A_2, %add3A_164 : i32
      %mul3A_209 = arith.constant 4096 : i32
      %mul3A_210 = arith.muli %add3A_208, %mul3A_209 : i32
      %dma_start3A_211 = tpu.memref_slice %arg4[%mul3A_210] : memref<33554432xf32, #tpu.memory_space<hbm>> -> memref<4096xf32, #tpu.memory_space<hbm>>
      %dma_start3A_212 = tpu.memref_slice %arg4[%mul3A_210] : memref<33554432xf32, #tpu.memory_space<hbm>> -> memref<4096xf32, #tpu.memory_space<hbm>>
      tpu.enqueue_dma source(%arg11 : memref<4096xf32, #tpu.memory_space<vmem>>) target(%dma_start3A_212 : memref<4096xf32, #tpu.memory_space<hbm>>) target_semaphore(%arg19 : memref<!tpu.dma_semaphore, #tpu.memory_space<semaphore_mem>>)
      %add3A_213 = arith.constant 4 : i32
      %add3A_214 = arith.addi %add3A_164, %add3A_213 : i32
      %lt3A_215 = arith.constant 256 : i32
      %lt3A_216 = arith.cmpi slt, %add3A_214, %lt3A_215 : i32
      %convert_element_type3A_217 = arith.extui %lt3A_216 : i1 to i32
      %cond3A_218 = arith.constant 0 : i32
      %cond3A_219 = arith.cmpi ne, %convert_element_type3A_217, %cond3A_218 : i32
      scf.if %cond3A_219 {
        %add3A_338 = arith.constant 4 : i32
        %add3A_339 = arith.addi %add3A_164, %add3A_338 : i32
        %shift_right_arithmetic3A_340 = arith.constant 4 : i32
        %shift_right_arithmetic3A_341 = arith.shrsi %add3A_339, %shift_right_arithmetic3A_340 : i32
        %mul3A_342 = arith.constant 16 : i32
        %mul3A_343 = arith.muli %shift_right_arithmetic3A_341, %mul3A_342 : i32
        %get3A_344 = arith.index_cast %mul3A_343 : i32 to index
        %get3A_345 = tpu.vector_load %arg5[%get3A_344] {strides = array<i32>} : memref<256xi32, #tpu.memory_space<vmem>>, vector<16xi32>,
        %and3A_346 = arith.constant 15 : i32
        %and3A_347 = arith.andi %add3A_339, %and3A_346 : i32
        %eq3A_348 = vector.broadcast %and3A_347 : i32 to vector<16xi32>
        %eq3A_349 = arith.cmpi eq, %iota3A, %eq3A_348 : vector<16xi32>
        %jit3A_350 = arith.constant 0 : i32
        %broadcast_in_dim3A_351 = vector.broadcast %jit3A_350 : i32 to vector<16xi32>
        %select_n3A_352 = arith.select %eq3A_349, %get3A_345, %broadcast_in_dim3A_351 : vector<16xi1>, vector<16xi32>
        %reduce_sum3A_353 = arith.constant true
        %reduce_sum3A_354 = vector.broadcast %reduce_sum3A_353 : i1 to vector<16xi1>
        %reduce_sum3A_355 = tpu.scan <sum>, %select_n3A_352 masked %reduce_sum3A_354 : vector<16xi32>, vector<16xi1> -> vector<16xi32>
        %reduce_sum3A_356 = vector.extract %reduce_sum3A_355[15] : i32 from vector<16xi32>
        %shift_right_arithmetic3A_357 = arith.constant 3 : i32
        %shift_right_arithmetic3A_358 = arith.shrsi %reduce_sum3A_356, %shift_right_arithmetic3A_357 : i32
        %dma_start3A_359 = arith.constant 0 : i32
        %dma_start3A_360 = arith.constant 0 : i32
        %dma_start3A_361 = tpu.memref_slice %arg3[%shift_right_arithmetic3A_358, %dma_start3A_359, %dma_start3A_360] : memref<18992x8x4096xbf16, #tpu.memory_space<hbm>> -> memref<1x8x4096xbf16, #tpu.memory_space<hbm>>
        %dma_start3A_362 = tpu.memref_squeeze %dma_start3A_361 : memref<1x8x4096xbf16, #tpu.memory_space<hbm>> -> memref<8x4096xbf16, #tpu.memory_space<hbm>>
        %dma_start3A_363 = arith.constant 0 : i32
        %dma_start3A_364 = arith.constant 0 : i32
        %dma_start3A_365 = tpu.memref_slice %arg3[%shift_right_arithmetic3A_358, %dma_start3A_363, %dma_start3A_364] : memref<18992x8x4096xbf16, #tpu.memory_space<hbm>> -> memref<1x8x4096xbf16, #tpu.memory_space<hbm>>
        %dma_start3A_366 = tpu.memref_squeeze %dma_start3A_365 : memref<1x8x4096xbf16, #tpu.memory_space<hbm>> -> memref<8x4096xbf16, #tpu.memory_space<hbm>>
        tpu.enqueue_dma source(%dma_start3A_366 : memref<8x4096xbf16, #tpu.memory_space<hbm>>) target(%arg7 : memref<8x4096xbf16, #tpu.memory_space<vmem>>) target_semaphore(%arg15 : memref<!tpu.dma_semaphore, #tpu.memory_space<semaphore_mem>>)
      } else {
      }
      %mul3A_220 = arith.constant 4 : i32
      %mul3A_221 = arith.muli %add3A_107, %mul3A_220 : i32
      %add3A_222 = arith.constant 2 : i32
      %add3A_223 = arith.addi %mul3A_221, %add3A_222 : i32
      %dma_wait3A_224 = arith.constant 0 : i32
      %dma_wait3A_225 = arith.constant 0 : i32
      %dma_wait3A_226 = arith.constant 0 : i32
      %dma_wait3A_227 = tpu.memref_slice %arg3[%dma_wait3A_224, %dma_wait3A_225, %dma_wait3A_226] : memref<18992x8x4096xbf16, #tpu.memory_space<hbm>> -> memref<1x8x4096xbf16, #tpu.memory_space<hbm>>
      %dma_wait3A_228 = tpu.memref_squeeze %dma_wait3A_227 : memref<1x8x4096xbf16, #tpu.memory_space<hbm>> -> memref<8x4096xbf16, #tpu.memory_space<hbm>>
      %dma_wait3A_229 = arith.constant 0 : i32
      %dma_wait3A_230 = arith.constant 0 : i32
      %dma_wait3A_231 = tpu.memref_slice %arg3[%dma_wait3A_224, %dma_wait3A_229, %dma_wait3A_230] : memref<18992x8x4096xbf16, #tpu.memory_space<hbm>> -> memref<1x8x4096xbf16, #tpu.memory_space<hbm>>
      %dma_wait3A_232 = tpu.memref_squeeze %dma_wait3A_231 : memref<1x8x4096xbf16, #tpu.memory_space<hbm>> -> memref<8x4096xbf16, #tpu.memory_space<hbm>>
      tpu.wait_dma2 semaphore(%arg16 : memref<!tpu.dma_semaphore, #tpu.memory_space<semaphore_mem>>) src(%dma_wait3A_232 : memref<8x4096xbf16, #tpu.memory_space<hbm>>) dst(%arg8 : memref<8x4096xbf16, #tpu.memory_space<vmem>>)
      %shift_right_arithmetic3A_233 = arith.constant 4 : i32
      %shift_right_arithmetic3A_234 = arith.shrsi %add3A_223, %shift_right_arithmetic3A_233 : i32
      %mul3A_235 = arith.constant 16 : i32
      %mul3A_236 = arith.muli %shift_right_arithmetic3A_234, %mul3A_235 : i32
      %get3A_237 = arith.index_cast %mul3A_236 : i32 to index
      %get3A_238 = tpu.vector_load %arg5[%get3A_237] {strides = array<i32>} : memref<256xi32, #tpu.memory_space<vmem>>, vector<16xi32>,
      %and3A_239 = arith.constant 15 : i32
      %and3A_240 = arith.andi %add3A_223, %and3A_239 : i32
      %eq3A_241 = vector.broadcast %and3A_240 : i32 to vector<16xi32>
      %eq3A_242 = arith.cmpi eq, %iota3A, %eq3A_241 : vector<16xi32>
      %jit3A_243 = arith.constant 0 : i32
      %broadcast_in_dim3A_244 = vector.broadcast %jit3A_243 : i32 to vector<16xi32>
      %select_n3A_245 = arith.select %eq3A_242, %get3A_238, %broadcast_in_dim3A_244 : vector<16xi1>, vector<16xi32>
      %reduce_sum3A_246 = arith.constant true
      %reduce_sum3A_247 = vector.broadcast %reduce_sum3A_246 : i1 to vector<16xi1>
      %reduce_sum3A_248 = tpu.scan <sum>, %select_n3A_245 masked %reduce_sum3A_247 : vector<16xi32>, vector<16xi1> -> vector<16xi32>
      %reduce_sum3A_249 = vector.extract %reduce_sum3A_248[15] : i32 from vector<16xi32>
      %and3A_250 = arith.constant 7 : i32
      %and3A_251 = arith.andi %reduce_sum3A_249, %and3A_250 : i32
      %and3A_252 = arith.constant 1 : i32
      %and3A_253 = arith.andi %and3A_251, %and3A_252 : i32
      %eq3A_254 = arith.constant 0 : i32
      %eq3A_255 = arith.cmpi eq, %and3A_253, %eq3A_254 : i32
      %jit3A_256 = arith.constant 16 : i32
      %jit3A_257 = arith.constant 0 : i32
      %select_n3A_258 = arith.select %eq3A_255, %jit3A_256, %jit3A_257 : i32
      %ge3A_259 = arith.constant 4 : i32
      %ge3A_260 = arith.cmpi sge, %add3A_223, %ge3A_259 : i32
      %convert_element_type3A_261 = arith.extui %ge3A_260 : i1 to i32
      %cond3A_262 = arith.constant 0 : i32
      %cond3A_263 = arith.cmpi ne, %convert_element_type3A_261, %cond3A_262 : i32
      scf.if %cond3A_263 {
        %dma_wait3A_338 = arith.constant 0 : i32
        %dma_wait3A_339 = tpu.memref_slice %arg4[%dma_wait3A_338] : memref<33554432xf32, #tpu.memory_space<hbm>> -> memref<4096xf32, #tpu.memory_space<hbm>>
        %dma_wait3A_340 = arith.constant 0 : i32
        %dma_wait3A_341 = tpu.memref_slice %arg4[%dma_wait3A_340] : memref<33554432xf32, #tpu.memory_space<hbm>> -> memref<4096xf32, #tpu.memory_space<hbm>>
        tpu.wait_dma2 semaphore(%arg20 : memref<!tpu.dma_semaphore, #tpu.memory_space<semaphore_mem>>) src(%arg12 : memref<4096xf32, #tpu.memory_space<vmem>>) dst(%dma_wait3A_341 : memref<4096xf32, #tpu.memory_space<hbm>>)
      } else {
      }
      %parallel_loop3A_264 = arith.constant 0 : i32
      %parallel_loop3A_265 = arith.constant 256 : i32
      %parallel_loop3A_266 = arith.constant 1 : i32
      scf.for %parallel_loop3A_338 = %parallel_loop3A_264 to %parallel_loop3A_265 step %parallel_loop3A_266  : i32 {
        %parallel_loop3A_339 = arith.constant 16 : i32
        %parallel_loop3A_340 = arith.muli %parallel_loop3A_338, %parallel_loop3A_339 : i32
        %parallel_loop3A_341 = arith.index_cast %and3A_251 : i32 to index
        %parallel_loop3A_342 = arith.index_cast %parallel_loop3A_340 : i32 to index
        %parallel_loop3A_343 = tpu.vector_load %arg8[%parallel_loop3A_341, %parallel_loop3A_342] {strides = array<i32>} : memref<8x4096xbf16, #tpu.memory_space<vmem>>, vector<32xbf16>,
        %parallel_loop3A_344 = vector.bitcast %parallel_loop3A_343 : vector<32xbf16> to vector<16xi32>
        %parallel_loop3A_345 = vector.broadcast %select_n3A_258 : i32 to vector<16xi32>
        %parallel_loop3A_346 = arith.shli %parallel_loop3A_344, %parallel_loop3A_345 : vector<16xi32>
        %parallel_loop3A_347 = vector.broadcast %scan3A : i32 to vector<16xi32>
        %parallel_loop3A_348 = arith.andi %parallel_loop3A_346, %parallel_loop3A_347 : vector<16xi32>
        %parallel_loop3A_349 = vector.bitcast %parallel_loop3A_348 : vector<16xi32> to vector<16xf32>
        %parallel_loop3A_350 = arith.constant 16 : i32
        %parallel_loop3A_351 = arith.muli %parallel_loop3A_338, %parallel_loop3A_350 : i32
        %parallel_loop3A_352 = vector.broadcast %parallel_loop3A_351 : i32 to vector<16xi32>
        %parallel_loop3A_353 = arith.addi %parallel_loop3A_352, %iota3A : vector<16xi32>
        tpu.vector_store_idx %arg12[%parallel_loop3A_353], %parallel_loop3A_349 : memref<4096xf32, #tpu.memory_space<vmem>>[vector<16xi32>], vector<16xf32>,
      } {sc.loop_unroll_factor = 8 : i64, sc.parallel_access}
      %add3A_267 = arith.addi %mul3A_2, %add3A_223 : i32
      %mul3A_268 = arith.constant 4096 : i32
      %mul3A_269 = arith.muli %add3A_267, %mul3A_268 : i32
      %dma_start3A_270 = tpu.memref_slice %arg4[%mul3A_269] : memref<33554432xf32, #tpu.memory_space<hbm>> -> memref<4096xf32, #tpu.memory_space<hbm>>
      %dma_start3A_271 = tpu.memref_slice %arg4[%mul3A_269] : memref<33554432xf32, #tpu.memory_space<hbm>> -> memref<4096xf32, #tpu.memory_space<hbm>>
      tpu.enqueue_dma source(%arg12 : memref<4096xf32, #tpu.memory_space<vmem>>) target(%dma_start3A_271 : memref<4096xf32, #tpu.memory_space<hbm>>) target_semaphore(%arg20 : memref<!tpu.dma_semaphore, #tpu.memory_space<semaphore_mem>>)
      %add3A_272 = arith.constant 4 : i32
      %add3A_273 = arith.addi %add3A_223, %add3A_272 : i32
      %lt3A_274 = arith.constant 256 : i32
      %lt3A_275 = arith.cmpi slt, %add3A_273, %lt3A_274 : i32
      %convert_element_type3A_276 = arith.extui %lt3A_275 : i1 to i32
      %cond3A_277 = arith.constant 0 : i32
      %cond3A_278 = arith.cmpi ne, %convert_element_type3A_276, %cond3A_277 : i32
      scf.if %cond3A_278 {
        %add3A_338 = arith.constant 4 : i32
        %add3A_339 = arith.addi %add3A_223, %add3A_338 : i32
        %shift_right_arithmetic3A_340 = arith.constant 4 : i32
        %shift_right_arithmetic3A_341 = arith.shrsi %add3A_339, %shift_right_arithmetic3A_340 : i32
        %mul3A_342 = arith.constant 16 : i32
        %mul3A_343 = arith.muli %shift_right_arithmetic3A_341, %mul3A_342 : i32
        %get3A_344 = arith.index_cast %mul3A_343 : i32 to index
        %get3A_345 = tpu.vector_load %arg5[%get3A_344] {strides = array<i32>} : memref<256xi32, #tpu.memory_space<vmem>>, vector<16xi32>,
        %and3A_346 = arith.constant 15 : i32
        %and3A_347 = arith.andi %add3A_339, %and3A_346 : i32
        %eq3A_348 = vector.broadcast %and3A_347 : i32 to vector<16xi32>
        %eq3A_349 = arith.cmpi eq, %iota3A, %eq3A_348 : vector<16xi32>
        %jit3A_350 = arith.constant 0 : i32
        %broadcast_in_dim3A_351 = vector.broadcast %jit3A_350 : i32 to vector<16xi32>
        %select_n3A_352 = arith.select %eq3A_349, %get3A_345, %broadcast_in_dim3A_351 : vector<16xi1>, vector<16xi32>
        %reduce_sum3A_353 = arith.constant true
        %reduce_sum3A_354 = vector.broadcast %reduce_sum3A_353 : i1 to vector<16xi1>
        %reduce_sum3A_355 = tpu.scan <sum>, %select_n3A_352 masked %reduce_sum3A_354 : vector<16xi32>, vector<16xi1> -> vector<16xi32>
        %reduce_sum3A_356 = vector.extract %reduce_sum3A_355[15] : i32 from vector<16xi32>
        %shift_right_arithmetic3A_357 = arith.constant 3 : i32
        %shift_right_arithmetic3A_358 = arith.shrsi %reduce_sum3A_356, %shift_right_arithmetic3A_357 : i32
        %dma_start3A_359 = arith.constant 0 : i32
        %dma_start3A_360 = arith.constant 0 : i32
        %dma_start3A_361 = tpu.memref_slice %arg3[%shift_right_arithmetic3A_358, %dma_start3A_359, %dma_start3A_360] : memref<18992x8x4096xbf16, #tpu.memory_space<hbm>> -> memref<1x8x4096xbf16, #tpu.memory_space<hbm>>
        %dma_start3A_362 = tpu.memref_squeeze %dma_start3A_361 : memref<1x8x4096xbf16, #tpu.memory_space<hbm>> -> memref<8x4096xbf16, #tpu.memory_space<hbm>>
        %dma_start3A_363 = arith.constant 0 : i32
        %dma_start3A_364 = arith.constant 0 : i32
        %dma_start3A_365 = tpu.memref_slice %arg3[%shift_right_arithmetic3A_358, %dma_start3A_363, %dma_start3A_364] : memref<18992x8x4096xbf16, #tpu.memory_space<hbm>> -> memref<1x8x4096xbf16, #tpu.memory_space<hbm>>
        %dma_start3A_366 = tpu.memref_squeeze %dma_start3A_365 : memref<1x8x4096xbf16, #tpu.memory_space<hbm>> -> memref<8x4096xbf16, #tpu.memory_space<hbm>>
        tpu.enqueue_dma source(%dma_start3A_366 : memref<8x4096xbf16, #tpu.memory_space<hbm>>) target(%arg8 : memref<8x4096xbf16, #tpu.memory_space<vmem>>) target_semaphore(%arg16 : memref<!tpu.dma_semaphore, #tpu.memory_space<semaphore_mem>>)
      } else {
      }
      %mul3A_279 = arith.constant 4 : i32
      %mul3A_280 = arith.muli %add3A_107, %mul3A_279 : i32
      %add3A_281 = arith.constant 3 : i32
      %add3A_282 = arith.addi %mul3A_280, %add3A_281 : i32
      %dma_wait3A_283 = arith.constant 0 : i32
      %dma_wait3A_284 = arith.constant 0 : i32
      %dma_wait3A_285 = arith.constant 0 : i32
      %dma_wait3A_286 = tpu.memref_slice %arg3[%dma_wait3A_283, %dma_wait3A_284, %dma_wait3A_285] : memref<18992x8x4096xbf16, #tpu.memory_space<hbm>> -> memref<1x8x4096xbf16, #tpu.memory_space<hbm>>
      %dma_wait3A_287 = tpu.memref_squeeze %dma_wait3A_286 : memref<1x8x4096xbf16, #tpu.memory_space<hbm>> -> memref<8x4096xbf16, #tpu.memory_space<hbm>>
      %dma_wait3A_288 = arith.constant 0 : i32
      %dma_wait3A_289 = arith.constant 0 : i32
      %dma_wait3A_290 = tpu.memref_slice %arg3[%dma_wait3A_283, %dma_wait3A_288, %dma_wait3A_289] : memref<18992x8x4096xbf16, #tpu.memory_space<hbm>> -> memref<1x8x4096xbf16, #tpu.memory_space<hbm>>
      %dma_wait3A_291 = tpu.memref_squeeze %dma_wait3A_290 : memref<1x8x4096xbf16, #tpu.memory_space<hbm>> -> memref<8x4096xbf16, #tpu.memory_space<hbm>>
      tpu.wait_dma2 semaphore(%arg17 : memref<!tpu.dma_semaphore, #tpu.memory_space<semaphore_mem>>) src(%dma_wait3A_291 : memref<8x4096xbf16, #tpu.memory_space<hbm>>) dst(%arg9 : memref<8x4096xbf16, #tpu.memory_space<vmem>>)
      %shift_right_arithmetic3A_292 = arith.constant 4 : i32
      %shift_right_arithmetic3A_293 = arith.shrsi %add3A_282, %shift_right_arithmetic3A_292 : i32
      %mul3A_294 = arith.constant 16 : i32
      %mul3A_295 = arith.muli %shift_right_arithmetic3A_293, %mul3A_294 : i32
      %get3A_296 = arith.index_cast %mul3A_295 : i32 to index
      %get3A_297 = tpu.vector_load %arg5[%get3A_296] {strides = array<i32>} : memref<256xi32, #tpu.memory_space<vmem>>, vector<16xi32>,
      %and3A_298 = arith.constant 15 : i32
      %and3A_299 = arith.andi %add3A_282, %and3A_298 : i32
      %eq3A_300 = vector.broadcast %and3A_299 : i32 to vector<16xi32>
      %eq3A_301 = arith.cmpi eq, %iota3A, %eq3A_300 : vector<16xi32>
      %jit3A_302 = arith.constant 0 : i32
      %broadcast_in_dim3A_303 = vector.broadcast %jit3A_302 : i32 to vector<16xi32>
      %select_n3A_304 = arith.select %eq3A_301, %get3A_297, %broadcast_in_dim3A_303 : vector<16xi1>, vector<16xi32>
      %reduce_sum3A_305 = arith.constant true
      %reduce_sum3A_306 = vector.broadcast %reduce_sum3A_305 : i1 to vector<16xi1>
      %reduce_sum3A_307 = tpu.scan <sum>, %select_n3A_304 masked %reduce_sum3A_306 : vector<16xi32>, vector<16xi1> -> vector<16xi32>
      %reduce_sum3A_308 = vector.extract %reduce_sum3A_307[15] : i32 from vector<16xi32>
      %and3A_309 = arith.constant 7 : i32
      %and3A_310 = arith.andi %reduce_sum3A_308, %and3A_309 : i32
      %and3A_311 = arith.constant 1 : i32
      %and3A_312 = arith.andi %and3A_310, %and3A_311 : i32
      %eq3A_313 = arith.constant 0 : i32
      %eq3A_314 = arith.cmpi eq, %and3A_312, %eq3A_313 : i32
      %jit3A_315 = arith.constant 16 : i32
      %jit3A_316 = arith.constant 0 : i32
      %select_n3A_317 = arith.select %eq3A_314, %jit3A_315, %jit3A_316 : i32
      %ge3A_318 = arith.constant 4 : i32
      %ge3A_319 = arith.cmpi sge, %add3A_282, %ge3A_318 : i32
      %convert_element_type3A_320 = arith.extui %ge3A_319 : i1 to i32
      %cond3A_321 = arith.constant 0 : i32
      %cond3A_322 = arith.cmpi ne, %convert_element_type3A_320, %cond3A_321 : i32
      scf.if %cond3A_322 {
        %dma_wait3A_338 = arith.constant 0 : i32
        %dma_wait3A_339 = tpu.memref_slice %arg4[%dma_wait3A_338] : memref<33554432xf32, #tpu.memory_space<hbm>> -> memref<4096xf32, #tpu.memory_space<hbm>>
        %dma_wait3A_340 = arith.constant 0 : i32
        %dma_wait3A_341 = tpu.memref_slice %arg4[%dma_wait3A_340] : memref<33554432xf32, #tpu.memory_space<hbm>> -> memref<4096xf32, #tpu.memory_space<hbm>>
        tpu.wait_dma2 semaphore(%arg21 : memref<!tpu.dma_semaphore, #tpu.memory_space<semaphore_mem>>) src(%arg13 : memref<4096xf32, #tpu.memory_space<vmem>>) dst(%dma_wait3A_341 : memref<4096xf32, #tpu.memory_space<hbm>>)
      } else {
      }
      %parallel_loop3A_323 = arith.constant 0 : i32
      %parallel_loop3A_324 = arith.constant 256 : i32
      %parallel_loop3A_325 = arith.constant 1 : i32
      scf.for %parallel_loop3A_338 = %parallel_loop3A_323 to %parallel_loop3A_324 step %parallel_loop3A_325  : i32 {
        %parallel_loop3A_339 = arith.constant 16 : i32
        %parallel_loop3A_340 = arith.muli %parallel_loop3A_338, %parallel_loop3A_339 : i32
        %parallel_loop3A_341 = arith.index_cast %and3A_310 : i32 to index
        %parallel_loop3A_342 = arith.index_cast %parallel_loop3A_340 : i32 to index
        %parallel_loop3A_343 = tpu.vector_load %arg9[%parallel_loop3A_341, %parallel_loop3A_342] {strides = array<i32>} : memref<8x4096xbf16, #tpu.memory_space<vmem>>, vector<32xbf16>,
        %parallel_loop3A_344 = vector.bitcast %parallel_loop3A_343 : vector<32xbf16> to vector<16xi32>
        %parallel_loop3A_345 = vector.broadcast %select_n3A_317 : i32 to vector<16xi32>
        %parallel_loop3A_346 = arith.shli %parallel_loop3A_344, %parallel_loop3A_345 : vector<16xi32>
        %parallel_loop3A_347 = vector.broadcast %scan3A : i32 to vector<16xi32>
        %parallel_loop3A_348 = arith.andi %parallel_loop3A_346, %parallel_loop3A_347 : vector<16xi32>
        %parallel_loop3A_349 = vector.bitcast %parallel_loop3A_348 : vector<16xi32> to vector<16xf32>
        %parallel_loop3A_350 = arith.constant 16 : i32
        %parallel_loop3A_351 = arith.muli %parallel_loop3A_338, %parallel_loop3A_350 : i32
        %parallel_loop3A_352 = vector.broadcast %parallel_loop3A_351 : i32 to vector<16xi32>
        %parallel_loop3A_353 = arith.addi %parallel_loop3A_352, %iota3A : vector<16xi32>
        tpu.vector_store_idx %arg13[%parallel_loop3A_353], %parallel_loop3A_349 : memref<4096xf32, #tpu.memory_space<vmem>>[vector<16xi32>], vector<16xf32>,
      } {sc.loop_unroll_factor = 8 : i64, sc.parallel_access}
      %add3A_326 = arith.addi %mul3A_2, %add3A_282 : i32
      %mul3A_327 = arith.constant 4096 : i32
      %mul3A_328 = arith.muli %add3A_326, %mul3A_327 : i32
      %dma_start3A_329 = tpu.memref_slice %arg4[%mul3A_328] : memref<33554432xf32, #tpu.memory_space<hbm>> -> memref<4096xf32, #tpu.memory_space<hbm>>
      %dma_start3A_330 = tpu.memref_slice %arg4[%mul3A_328] : memref<33554432xf32, #tpu.memory_space<hbm>> -> memref<4096xf32, #tpu.memory_space<hbm>>
      tpu.enqueue_dma source(%arg13 : memref<4096xf32, #tpu.memory_space<vmem>>) target(%dma_start3A_330 : memref<4096xf32, #tpu.memory_space<hbm>>) target_semaphore(%arg21 : memref<!tpu.dma_semaphore, #tpu.memory_space<semaphore_mem>>)
      %add3A_331 = arith.constant 4 : i32
      %add3A_332 = arith.addi %add3A_282, %add3A_331 : i32
      %lt3A_333 = arith.constant 256 : i32
      %lt3A_334 = arith.cmpi slt, %add3A_332, %lt3A_333 : i32
      %convert_element_type3A_335 = arith.extui %lt3A_334 : i1 to i32
      %cond3A_336 = arith.constant 0 : i32
      %cond3A_337 = arith.cmpi ne, %convert_element_type3A_335, %cond3A_336 : i32
      scf.if %cond3A_337 {
        %add3A_338 = arith.constant 4 : i32
        %add3A_339 = arith.addi %add3A_282, %add3A_338 : i32
        %shift_right_arithmetic3A_340 = arith.constant 4 : i32
        %shift_right_arithmetic3A_341 = arith.shrsi %add3A_339, %shift_right_arithmetic3A_340 : i32
        %mul3A_342 = arith.constant 16 : i32
        %mul3A_343 = arith.muli %shift_right_arithmetic3A_341, %mul3A_342 : i32
        %get3A_344 = arith.index_cast %mul3A_343 : i32 to index
        %get3A_345 = tpu.vector_load %arg5[%get3A_344] {strides = array<i32>} : memref<256xi32, #tpu.memory_space<vmem>>, vector<16xi32>,
        %and3A_346 = arith.constant 15 : i32
        %and3A_347 = arith.andi %add3A_339, %and3A_346 : i32
        %eq3A_348 = vector.broadcast %and3A_347 : i32 to vector<16xi32>
        %eq3A_349 = arith.cmpi eq, %iota3A, %eq3A_348 : vector<16xi32>
        %jit3A_350 = arith.constant 0 : i32
        %broadcast_in_dim3A_351 = vector.broadcast %jit3A_350 : i32 to vector<16xi32>
        %select_n3A_352 = arith.select %eq3A_349, %get3A_345, %broadcast_in_dim3A_351 : vector<16xi1>, vector<16xi32>
        %reduce_sum3A_353 = arith.constant true
        %reduce_sum3A_354 = vector.broadcast %reduce_sum3A_353 : i1 to vector<16xi1>
        %reduce_sum3A_355 = tpu.scan <sum>, %select_n3A_352 masked %reduce_sum3A_354 : vector<16xi32>, vector<16xi1> -> vector<16xi32>
        %reduce_sum3A_356 = vector.extract %reduce_sum3A_355[15] : i32 from vector<16xi32>
        %shift_right_arithmetic3A_357 = arith.constant 3 : i32
        %shift_right_arithmetic3A_358 = arith.shrsi %reduce_sum3A_356, %shift_right_arithmetic3A_357 : i32
        %dma_start3A_359 = arith.constant 0 : i32
        %dma_start3A_360 = arith.constant 0 : i32
        %dma_start3A_361 = tpu.memref_slice %arg3[%shift_right_arithmetic3A_358, %dma_start3A_359, %dma_start3A_360] : memref<18992x8x4096xbf16, #tpu.memory_space<hbm>> -> memref<1x8x4096xbf16, #tpu.memory_space<hbm>>
        %dma_start3A_362 = tpu.memref_squeeze %dma_start3A_361 : memref<1x8x4096xbf16, #tpu.memory_space<hbm>> -> memref<8x4096xbf16, #tpu.memory_space<hbm>>
        %dma_start3A_363 = arith.constant 0 : i32
        %dma_start3A_364 = arith.constant 0 : i32
        %dma_start3A_365 = tpu.memref_slice %arg3[%shift_right_arithmetic3A_358, %dma_start3A_363, %dma_start3A_364] : memref<18992x8x4096xbf16, #tpu.memory_space<hbm>> -> memref<1x8x4096xbf16, #tpu.memory_space<hbm>>
        %dma_start3A_366 = tpu.memref_squeeze %dma_start3A_365 : memref<1x8x4096xbf16, #tpu.memory_space<hbm>> -> memref<8x4096xbf16, #tpu.memory_space<hbm>>
        tpu.enqueue_dma source(%dma_start3A_366 : memref<8x4096xbf16, #tpu.memory_space<hbm>>) target(%arg9 : memref<8x4096xbf16, #tpu.memory_space<vmem>>) target_semaphore(%arg17 : memref<!tpu.dma_semaphore, #tpu.memory_space<semaphore_mem>>)
      } else {
      }
    }
    %scan3A_87 = arith.constant 64 : i32
    %dma_wait3A = arith.constant 0 : i32
    %dma_wait3A_88 = tpu.memref_slice %arg4[%dma_wait3A] : memref<33554432xf32, #tpu.memory_space<hbm>> -> memref<4096xf32, #tpu.memory_space<hbm>>
    %dma_wait3A_89 = arith.constant 0 : i32
    %dma_wait3A_90 = tpu.memref_slice %arg4[%dma_wait3A_89] : memref<33554432xf32, #tpu.memory_space<hbm>> -> memref<4096xf32, #tpu.memory_space<hbm>>
    tpu.wait_dma2 semaphore(%arg18 : memref<!tpu.dma_semaphore, #tpu.memory_space<semaphore_mem>>) src(%arg10 : memref<4096xf32, #tpu.memory_space<vmem>>) dst(%dma_wait3A_90 : memref<4096xf32, #tpu.memory_space<hbm>>)
    %dma_wait3A_91 = arith.constant 0 : i32
    %dma_wait3A_92 = tpu.memref_slice %arg4[%dma_wait3A_91] : memref<33554432xf32, #tpu.memory_space<hbm>> -> memref<4096xf32, #tpu.memory_space<hbm>>
    %dma_wait3A_93 = arith.constant 0 : i32
    %dma_wait3A_94 = tpu.memref_slice %arg4[%dma_wait3A_93] : memref<33554432xf32, #tpu.memory_space<hbm>> -> memref<4096xf32, #tpu.memory_space<hbm>>
    tpu.wait_dma2 semaphore(%arg19 : memref<!tpu.dma_semaphore, #tpu.memory_space<semaphore_mem>>) src(%arg11 : memref<4096xf32, #tpu.memory_space<vmem>>) dst(%dma_wait3A_94 : memref<4096xf32, #tpu.memory_space<hbm>>)
    %dma_wait3A_95 = arith.constant 0 : i32
    %dma_wait3A_96 = tpu.memref_slice %arg4[%dma_wait3A_95] : memref<33554432xf32, #tpu.memory_space<hbm>> -> memref<4096xf32, #tpu.memory_space<hbm>>
    %dma_wait3A_97 = arith.constant 0 : i32
    %dma_wait3A_98 = tpu.memref_slice %arg4[%dma_wait3A_97] : memref<33554432xf32, #tpu.memory_space<hbm>> -> memref<4096xf32, #tpu.memory_space<hbm>>
    tpu.wait_dma2 semaphore(%arg20 : memref<!tpu.dma_semaphore, #tpu.memory_space<semaphore_mem>>) src(%arg12 : memref<4096xf32, #tpu.memory_space<vmem>>) dst(%dma_wait3A_98 : memref<4096xf32, #tpu.memory_space<hbm>>)
    %dma_wait3A_99 = arith.constant 0 : i32
    %dma_wait3A_100 = tpu.memref_slice %arg4[%dma_wait3A_99] : memref<33554432xf32, #tpu.memory_space<hbm>> -> memref<4096xf32, #tpu.memory_space<hbm>>
    %dma_wait3A_101 = arith.constant 0 : i32
    %dma_wait3A_102 = tpu.memref_slice %arg4[%dma_wait3A_101] : memref<33554432xf32, #tpu.memory_space<hbm>> -> memref<4096xf32, #tpu.memory_space<hbm>>
    tpu.wait_dma2 semaphore(%arg21 : memref<!tpu.dma_semaphore, #tpu.memory_space<semaphore_mem>>) src(%arg13 : memref<4096xf32, #tpu.memory_space<vmem>>) dst(%dma_wait3A_102 : memref<4096xf32, #tpu.memory_space<hbm>>)
    return
  }
}

</mosaic_0001>

<sc_bundles>
// kernel: kernel.3.cloned.1.call-start
scs
__scs_entry_jumppad:
0x0: {  	(pc) =	sbr.rel $0x88, $3  }
0x1: {  	(tag) =	ssettag $0x0;
	lr =	simm.s32 $0x1  }
0x2: {  	[smem:$0x3F9F] =	sst lr;
	_ =	strace $0xD0000000  }
0x3: {  	_ = 	snop  }
0x4: {  	_ = 	snop  }
0x5: {  	_ = 	snop  }
0x6: {  	_ = 	snop  }
0x7: {  	_ = 	snop  }
__scs_overlays_trampoline_lowered:
0x8: {  	[smem:$0x3FAE] =	sst s0  }
0x9: {  	[smem:$0x3FAF] =	sst s1  }
0xa: {  	[smem:$0x3FB0] =	sst s2  }
0xb: {  	[smem:$0x3FB1] =	sst s3  }
0xc: {  	[smem:$0x3FB2] =	sst s4  }
0xd: {  	[smem:$0x3FB3] =	sst s5  }
0xe: {  	[smem:$0x3FB4] =	sst s6  }
0xf: {  	[smem:$0x3FB5] =	sst s7  }
0x10: {  	[smem:$0x3FB6] =	sst s8  }
0x11: {  	[smem:$0x3FB7] =	sst s9;
	s0 =	simm.s32 @!p0 $0x0  }
0x12: {  	s1 =	sld [smem:$0x3F9D];
	s0 =	simm.s32 @p0 $0x1  }
0x13: {  	[smem:$0x3FB8] =	sst s0;
	s0 =	simm.s32 @!p1 $0x0  }
0x14: {  	s2 =	sld [smem:$0x3F9C];
	s0 =	simm.s32 @p1 $0x1  }
0x15: {  	[smem:$0x3FB9] =	sst s0;
	s0 =	simm.s32 @!p2 $0x0  }
0x16: {  	s3 =	sld [smem:$0x3FDB];
	s0 =	simm.s32 @p2 $0x1  }
0x17: {  	s4 =	simm.s32 $0x1BF5;
	[smem:$0x3FBB] =	sst s0  }
0x18: {  	s0 =	sld [smem:$0x3F9E];
	_ =	swait.ge [sflag:s4], $0x0  }
0x19: {  	s7 =	sld [smem:$0x3F9F]  }
0x1a: {  	s8 =	sadd.s32 $0xFFFFE003, lr  }
0x1b: {  	s9 =	sadd.s32 $0xFFFFFEF7, lr;
	s5 =	simm.s32 $0xFFFFFFFF;
	p2 =	slt.u32 s8, $0xFFFFF086  }
0x1c: {  	p1 =	slt.u32 s9, $0xF7A;
	s5 =	simm.s32 @!p2 $0x0  }
0x1d: {  	s5 =	simm.s32 @p1 $0x1;
	p0 =	seq.s32 s7, s2  }
0x1e: {  	s7 =	smul.u32 @!p0 $0xF7A, s2;
	p2 =	seq.s32 @!p0 s5, $0x0  }
0x1f: {  	s9 =	smul.u32 $0xF7A, s1;
	s8 =	simm.s32 @!p0 $0x1BF5;
	p2 =	por !p2, p0  }
0x20: {  	[sflag:s8] =	ssyncset.s32 @!p0 $0xFFFFF086;
	s6 =	sadd.s32 @!p0 s3, s7;
	s7 =	simm.s32 @!p0 $0x108  }
0x21: {  	s3 =	sadd.s32 s3, s9;
	s6 =	sadd.s32 @!p0 $0x88, s6;
	s7 =	simm.s32 @p2 $0x1082  }
0x22: {  	[simem:s7], [sflag:s8] =	dma.local @!p0 [hbm:s6], $0xF7A  }
0x23: {  	s9 =	sor.u32 $0xD0000000, s2;
	s6 =	simm.s32 $0x108;
	_ =	swait.ge @!p0 [sflag:s8], $0x0  }
0x24: {  	s3 =	sadd.s32 $0x88, s3;
	s6 =	simm.s32 @!p1 $0x1082;
	[sflag:s4] =	ssyncset.s32 $0xFFFFF086  }
0x25: {  	[simem:s6], [sflag:s4] =	dma.local [hbm:s3], $0xF7A  }
0x26: {  	[smem:$0x3F9F] =	sst s1;
	(tag) =	ssettag s2;
	_ =	strace s9  }
0x27: {  	s1 =	sld [smem:$0x3FAF]  }
0x28: {  	s2 =	sld [smem:$0x3FB0]  }
0x29: {  	s4 =	sld [smem:$0x3FB2]  }
0x2a: {  	p0 =	seq.s32 s5, $0x0;
	s5 =	sld [smem:$0x3FB3]  }
0x2b: {  	s6 =	sld [smem:$0x3FB4]  }
0x2c: {  	s7 =	sld [smem:$0x3FB5]  }
0x2d: {  	s3 =	simm.s32 $0x108;
	s8 =	sld [smem:$0x3FB6]  }
0x2e: {  	s3 =	simm.s32 @!p0 $0x1082;
	s9 =	sld [smem:$0x3FB7]  }
0x2f: {  	lr =	sadd.s32 s0, s3;
	s0 =	sld [smem:$0x3FAE]  }
0x30: {  	s3 =	sld [smem:$0x3FB1]  }
0x31: {  	[smem:$0x3FBA] =	sst s10  }
0x32: {  	s10 =	sld [smem:$0x3FB8];
	_ =	sdelay $0x3  }
0x33: {  	p0 =	seq.s32 s10, $0x1;
	s10 =	sld [smem:$0x3FBA];
	_ =	sdelay $0x3  }
0x34: {  	[smem:$0x3FBA] =	sst s10  }
0x35: {  	s10 =	sld [smem:$0x3FB9];
	_ =	sdelay $0x3  }
0x36: {  	p1 =	seq.s32 s10, $0x1;
	s10 =	sld [smem:$0x3FBA];
	_ =	sdelay $0x3  }
0x37: {  	[smem:$0x3FBA] =	sst s10  }
0x38: {  	s10 =	sld [smem:$0x3FBB]  }
0x39: {  	_ = 	snop;
	(pc) =	sbr.ind lr, $3  }
0x3a: {  	_ = 	snop  }
0x3b: {  	_ = 	snop  }
0x3c: {  	p2 =	seq.s32 s10, $0x1;
	s10 =	sld [smem:$0x3FBA]  }
0x3d: {  	_ =	shalt  }
0x3e: {  	_ =	shalt  }
0x3f: {  	_ =	shalt  }
0x40: {  	_ =	shalt  }
0x41: {  	_ =	shalt  }
0x42: {  	_ =	shalt  }
0x43: {  	_ =	shalt  }
0x44: {  	_ =	shalt  }
0x45: {  	_ =	shalt  }
0x46: {  	_ =	shalt  }
0x47: {  	_ =	shalt  }
0x48: {  	_ =	shalt  }
0x49: {  	_ =	shalt  }
0x4a: {  	_ =	shalt  }
0x4b: {  	_ =	shalt  }
0x4c: {  	_ =	shalt  }
0x4d: {  	_ =	shalt  }
0x4e: {  	_ =	shalt  }
0x4f: {  	_ =	shalt  }
0x50: {  	_ =	shalt  }
0x51: {  	_ =	shalt  }
0x52: {  	_ =	shalt  }
0x53: {  	_ =	shalt  }
0x54: {  	_ =	shalt  }
0x55: {  	_ =	shalt  }
0x56: {  	_ =	shalt  }
0x57: {  	_ =	shalt  }
0x58: {  	_ =	shalt  }
0x59: {  	_ =	shalt  }
0x5a: {  	_ =	shalt  }
0x5b: {  	_ =	shalt  }
0x5c: {  	_ =	shalt  }
0x5d: {  	_ =	shalt  }
0x5e: {  	_ =	shalt  }
0x5f: {  	_ =	shalt  }
0x60: {  	_ =	shalt  }
0x61: {  	_ =	shalt  }
0x62: {  	_ =	shalt  }
0x63: {  	_ =	shalt  }
0x64: {  	_ =	shalt  }
0x65: {  	_ =	shalt  }
0x66: {  	_ =	shalt  }
0x67: {  	_ =	shalt  }
0x68: {  	_ =	shalt  }
0x69: {  	_ =	shalt  }
0x6a: {  	_ =	shalt  }
0x6b: {  	_ =	shalt  }
0x6c: {  	_ =	shalt  }
0x6d: {  	_ =	shalt  }
0x6e: {  	_ =	shalt  }
0x6f: {  	_ =	shalt  }
0x70: {  	_ =	shalt  }
0x71: {  	_ =	shalt  }
0x72: {  	_ =	shalt  }
0x73: {  	_ =	shalt  }
0x74: {  	_ =	shalt  }
0x75: {  	_ =	shalt  }
0x76: {  	_ =	shalt  }
0x77: {  	_ =	shalt  }
0x78: {  	_ =	shalt  }
0x79: {  	_ =	shalt  }
0x7a: {  	_ =	shalt  }
0x7b: {  	_ =	shalt  }
0x7c: {  	_ =	shalt  }
0x7d: {  	_ =	shalt  }
0x7e: {  	_ =	shalt  }
0x7f: {  	_ =	shalt  }
0x80: {  	_ =	shalt  }
0x81: {  	_ =	shalt  }
0x82: {  	_ =	shalt  }
0x83: {  	_ =	shalt  }
0x84: {  	_ =	shalt  }
0x85: {  	_ =	shalt  }
0x86: {  	_ =	shalt  }
0x87: {  	_ =	shalt  }
.Lfunc_end0:
.L_simem_size_0:
called_computation_lowered:
.L_overlay_start_0:
0x88: {  	s2 =	sld [smem:$0x3FD9]  }
0x89: {  	s3 =	sld [smem:$0x3FFE];
	_ =	sdelay $0x1  }
0x8a: {  	s1 =	srdreg.scid  }
0x8b: {  	s0 =	sand.u32 $0x1, s1  }
0x8c: {  	s17 =	sshll.u32 s0, $0xA;
	s2 =	sadd.s32 s3, s2  }
0x8d: {  	s2 =	sadd.s32 s2, s17  }
0x8e: {  	[smem:$0x3FC6] =	sst s2  }
0x8f: {  	_ = 	snop  }
0x90: {  	s2 =	sld [smem:$0x3FC8]  }
0x91: {  	s18 =	sld [smem:$0x3FD0];
	(tm) =	ssettm $0x1  }
0x92: {  	s4 =	sld [smem:$0x3FFB];
	_ =	sdelay $0x3  }
0x93: {  	_ =	strace s4  }
0x94: {  	s4 =	sld [smem:$0x3FFC];
	_ =	sdelay $0x3  }
0x95: {  	_ =	strace s4  }
0x96: {  	s4 =	sld [smem:$0x3FFD];
	_ =	sdelay $0x3  }
0x97: {  	_ =	strace s4  }
0x98: {  	_ =	strace $0x8FFFFFFF  }
0x99: {  	s19 =	sld [smem:$0x3FDB];
	_ =	sdelay $0x1  }
0x9a: {  	s5 =	simm.s32 $_scs_section_size  }
0x9b: {  	s6 =	simm.s32 $_size__tile_overlayer_lowered;
	s7 =	simm.s32 $_tile_overlayer_lowered  }
0x9c: {  	s22 =	simm.s32 $0x1BFF;
	s21 =	sshll.u32 s7, $0x1;
	s4 =	sadd.s32 s5, s19  }
0x9d: {  	s8 =	simm.s32 $0x0;
	s20 =	sshll.u32 s6, $0x1;
	s6 =	sadd.s32 s21, s4  }
0x9e: {  	[timem:s8], [sflag:s22] =	dma.local [hbm:s6], s20  }
0x9f: {  	_ =	swait.ge [sflag:s22], s20  }
0xa0: {  	s5 =	ssub.s32 $0x0, s20;
	[sflag:s22] =	ssyncset.done $0x0  }
0xa1: {  	[sflag:s22] =	ssyncadd.s32 s5;
	_ =	sdelay $0x1  }
0xa2: {  	s23 =	simm.s32 $0x1B8B  }
0xa3: {  	_ =	swait.ge [sflag:s23], $0x1  }
0xa4: {  	[sflag:s23] =	ssyncset.done $0x0  }
0xa5: {  	s25 =	simm.s32 $0x1B8E;
	s24 =	sld [smem:$0x3FFE];
	[sflag:s23] =	ssyncadd.s32 $0xFFFFFFFF  }
0xa6: {  	s26 =	simm.s32 $execute0_lowered;
	[smem:$0x3FD2] =	sst s25  }
0xa7: {  	s6 =	sshll.u32 s26, $0x1;
	_ =	strace $0x80000046;
	[dreg:$0x1] =	wrdreg $0xFFFFFFFF  }
0xa8: {  	s28 =	simm.s32 $_size_execute0_lowered;
	s4 =	sadd.s32 s4, s6;
	[dreg:$0x0] =	wrdreg $0x0  }
0xa9: {  	s6 =	sshll.u32 s28, $0x1;
	[dreg:$0x2] =	wrdreg s4  }
0xaa: {  	[dreg:$0x3] =	wrdreg s6  }
0xab: {  	[dreg:$0x4] =	wrdreg $0xC0  }
0xac: {  	_ =	task [dreg:s8], $0x5FFFF  }
0xad: {  	[dreg:$0x1] =	wrdreg $0xFFFFFFFF  }
0xae: {  	[dreg:$0x0] =	wrdreg $0x60  }
0xaf: {  	[dreg:$0x2] =	wrdreg s18  }
0xb0: {  	[dreg:$0x3] =	wrdreg s2  }
0xb1: {  	[dreg:$0x4] =	wrdreg s24  }
0xb2: {  	[dreg:$0x5] =	wrdreg $0x9  }
0xb3: {  	_ =	task.clear_ibuf [dreg:s8], $0x6FFFF;
	_ =	strace $0x90000046  }
0xb4: {  	s29 =	simm.s32 $0x9;
	_ =	strace $0x80000048  }
0xb5: {  	_ =	swait.ge [sflag:s29], $0x1  }
0xb6: {  	[sflag:s29] =	ssyncadd.s32 $0xFFFFFFFF  }
0xb7: {  	_ =	strace $0x90000048  }
0xb8: {  	_ =	sfence  }
0xb9: {  	s30 =	sld [smem:$0x0];
	_ =	sdelay $0x2  }
0xba: {  	s31 =	sshll.u32 s1, $0xD;
	s1 =	sshrl.u32 s1, $0x2  }
0xbb: {  	s3 =	sand.u32 $0x4000, s31;
	s1 =	sadd.s32 s1, s30  }
0xbc: {  	s0 =	sor.u32 s3, s0;
	s1 =	sshll.u32 s1, $0x11  }
0xbd: {  	s0 =	sor.u32 s1, s0  }
0xbe: {  	s0 =	sadd.s32 $0x8F2B, s0  }
0xbf: {  	[sflag:s0] =	ssyncadd.remote.s32 $0x1  }
0xc0: {  	_ =	sfence.sel $0xFFFF  }
0xc1: {  	[dreg:$0x0] =	wrdreg $0xFFFFFFFF;
	(pc) =	sbr.abs _section_cstart, $3  }
0xc2: {  	[dreg:$0x1] =	wrdreg $0xFFFFFFFF  }
0xc3: {  	_ =	task.clear_ibuf [dreg:s8], $0x2FFFF;
	_ =	strace $0x9FFFFFFF  }
0xc4: {  	(tm) =	ssettm $0x7FFFFFFF  }
0xc5: {  	_ =	shalt  }
tec
execute0_lowered:
.L_overlay_start_1:
0x0: {  	(tag) =	ssettag $0x1  }
0x1: {  	s0 =	rddreg [dreg:$0x0]  }
0x2: {  	s1 =	rddreg [dreg:$0x1]  }
0x3: {  	s2 =	rddreg [dreg:$0x2];
	s4 =	srdreg.scid;
	s3 =	simm.s32 $0x0  }
0x4: {  	s6 =	stileid.u32;
	s8 =	simm.s32 $0x9;
	s9 =	simm.s32 $0x100  }
0x5: {  	s10 =	simm.s32 $0x4100;
	s11 =	simm.s32 $0x8100;
	s12 =	simm.s32 $0xC100  }
0x6: {  	s13 =	simm.s32 $0x1;
	s14 =	simm.s32 $0x10100;
	s15 =	simm.s32 $0x2  }
0x7: {  	s16 =	simm.s32 $0x11100;
	s17 =	simm.s32 $0x3;
	s18 =	simm.s32 $0x12100  }
0x8: {  	s19 =	simm.s32 $0x4;
	s20 =	simm.s32 $0x13100;
	s21 =	simm.s32 $0x5  }
0x9: {  	s22 =	simm.s32 $0x6;
	s23 =	simm.s32 $0x7;
	s24 =	simm.s32 $0x8  }
.Ltmp0:
0xa: {  	s25 =	simm.s32 $0x0;
	s4 =	sand.u32 $0x1, s4;
	(pc) =	sbr.rel .LBB2_1-.Ltmp0, $4  }
0xb: {  	vm0 =	vmmov $0x1;
	vm1 =	vcmask $0x308;
	v0 =	vlaneseq.u32;
	s6 =	sshll.u32 s6, $0x9;
	s5 =	ssub.s32 $0x2, s4;
	s4 =	sshll.u32 s4, $0x8  }
0xc: {  	vm2 =	vcmask $0x70C;
	vm3 =	vcmask $0xB10;
	[smem:$0x7FF] =	sst s3;
	v1 =	vor.u32 $0x10, v0;
	s7 =	sshrl.u32 s5, $0x1;
	s4 =	sor.u32 s4, s6  }
0xd: {  	v2 =	vor.u32 $0x20, v0;
	v3 =	vor.u32 $0x30, v0;
	v4 =	vor.u32 $0x40, v0;
	_ =	strace $0x80000047;
	s7 =	ssub.s32 s5, s7;
	s6 =	sshrl.u32 s4, $0x3  }
0xe: {  	v5 =	vor.u32 $0x50, v0;
	v6 =	vor.u32 $0x60, v0;
	v7 =	vor.u32 $0x70, v0;
	s5 =	sadd.s32 $0x400, s2;
	s6 =	sadd.s32 s0, s6;
	s7 =	smax.u32 s7, $0x1  }
.LBB2_12:
0xf: {  	_ =	swait.ge [sflag:s21], $0x1000  }
0x10: {  	[sflag:s21] =	ssyncset.done $0x0  }
0x11: {  	[sflag:s21] =	ssyncadd.s32 $0xFFFFF000  }
0x12: {  	_ =	swait.ge [sflag:s22], $0x1000  }
0x13: {  	[sflag:s22] =	ssyncset.done $0x0  }
0x14: {  	s25 =	sadd.s32 $0x1, s25;
	[sflag:s22] =	ssyncadd.s32 $0xFFFFF000  }
0x15: {  	p0 =	sne.s32 s25, s7;
	_ =	swait.ge [sflag:s23], $0x1000  }
.Ltmp1:
0x16: {  	[sflag:s23] =	ssyncset.done $0x0;
	(pc) =	sbr.rel @!p0 .LBB2_13-.Ltmp1, $4  }
0x17: {  	[sflag:s23] =	ssyncadd.s32 $0xFFFFF000  }
0x18: {  	_ =	swait.ge [sflag:s24], $0x1000  }
0x19: {  	[sflag:s24] =	ssyncset.done $0x0  }
0x1a: {  	[sflag:s24] =	ssyncadd.s32 $0xFFFFF000  }
.LBB2_1:
0x1b: {  	[tilespmem:s3], [sflag:$0x9] =	stream.linear.gather [hbm4b:s6+s3], $0x100, $0x38;
	[tilespmem:$0x14100] =	vst v63  }
0x1c: {  	_ =	swait.ge [sflag:s8], $0x100  }
0x1d: {  	[sflag:s8] =	ssyncset.done $0x0  }
0x1e: {  	[sflag:s8] =	ssyncadd.s32 $0xFFFFFF00  }
0x1f: {  	v8 =	vld [tilespmem:$0x0];
	_ =	sdelay $0x4  }
0x20: {  	v8 =	vnsel vm0, $0x0, v8  }
0x21: {  	(xrf0) =	vadd.scan.msk.s32 $0xffff, v8;
	_ =	sdelay $0x5  }
0x22: {  	v8, _, _ =	vpop (xrf0)  }
0x23: {  	(v2sf) =	vpush v8, $0xF;
	_ =	sdelay $0xe  }
0x24: {  	s0 =	spop (v2sf)  }
0x25: {  	s0 =	sshll.u32 s0, $0x8  }
0x26: {  	s0 =	sand.u32 $0xFFFF800, s0  }
0x27: {  	s0 =	sadd.s32 s1, s0  }
0x28: {  	[tilespmem:s9], [sflag:$0x1] =	stream.linear.gather [hbm4b:s0+s3], $0x4000, $0x38;
	[tilespmem:$0x14100] =	vst v63  }
0x29: {  	v8 =	vld [tilespmem:$0x0];
	_ =	sdelay $0x4  }
0x2a: {  	v8 =	vsel vm1, $0x0, v8  }
0x2b: {  	(xrf0) =	vadd.scan.msk.s32 $0xffff, v8;
	_ =	sdelay $0x5  }
0x2c: {  	v8, _, _ =	vpop (xrf0)  }
0x2d: {  	(v2sf) =	vpush v8, $0xF;
	_ =	sdelay $0xe  }
0x2e: {  	s29 =	spop (v2sf)  }
0x2f: {  	s0 =	sshll.u32 s29, $0x8  }
0x30: {  	s0 =	sand.u32 $0xFFFF800, s0  }
0x31: {  	s0 =	sadd.s32 s1, s0  }
0x32: {  	[tilespmem:s10], [sflag:$0x2] =	stream.linear.gather [hbm4b:s0+s3], $0x4000, $0x38;
	[tilespmem:$0x14100] =	vst v63  }
0x33: {  	v8 =	vld [tilespmem:$0x0];
	_ =	sdelay $0x4  }
0x34: {  	v8 =	vsel vm2, $0x0, v8  }
0x35: {  	(xrf0) =	vadd.scan.msk.s32 $0xffff, v8;
	_ =	sdelay $0x5  }
0x36: {  	v8, _, _ =	vpop (xrf0)  }
0x37: {  	(v2sf) =	vpush v8, $0xF;
	_ =	sdelay $0xe  }
0x38: {  	s30 =	spop (v2sf)  }
0x39: {  	s0 =	sshll.u32 s30, $0x8  }
0x3a: {  	s0 =	sand.u32 $0xFFFF800, s0  }
0x3b: {  	s0 =	sadd.s32 s1, s0  }
0x3c: {  	[tilespmem:s11], [sflag:$0x3] =	stream.linear.gather [hbm4b:s0+s3], $0x4000, $0x38;
	[tilespmem:$0x14100] =	vst v63  }
0x3d: {  	v8 =	vld [tilespmem:$0x0];
	_ =	sdelay $0x4  }
0x3e: {  	v8 =	vsel vm3, $0x0, v8  }
0x3f: {  	(xrf0) =	vadd.scan.msk.s32 $0xffff, v8;
	_ =	sdelay $0x5  }
0x40: {  	v8, _, _ =	vpop (xrf0)  }
0x41: {  	(v2sf) =	vpush v8, $0xF;
	_ =	sdelay $0xe  }
0x42: {  	s31 =	spop (v2sf)  }
0x43: {  	s0 =	sshll.u32 s31, $0x8  }
0x44: {  	s0 =	sand.u32 $0xFFFF800, s0  }
0x45: {  	s26 =	simm.s32 $0x0;
	s0 =	sadd.s32 s1, s0  }
0x46: {  	[tilespmem:s12], [sflag:$0x4] =	stream.linear.gather [hbm4b:s0+s3], $0x4000, $0x38;
	[tilespmem:$0x14100] =	vst v63  }
.LBB2_2:
0x47: {  	_ =	swait.ge [sflag:s13], $0x4000  }
0x48: {  	s28 =	sshll.u32 s26, $0x2;
	[sflag:s13] =	ssyncset.done $0x0  }
0x49: {  	s29 =	sand.u32 $0xF0, s28;
	[sflag:s13] =	ssyncadd.s32 $0xFFFFC000  }
0x4a: {  	v8 =	vld [tilespmem:s29+$0x0];
	_ =	sdelay $0x1  }
0x4b: {  	s0 =	sand.u32 $0xC, s28  }
0x4c: {  	v9 =	vmov s0  }
0x4d: {  	vm4 =	veq.s32 v9, v0  }
0x4e: {  	v8 =	vnsel vm4, $0x0, v8  }
0x4f: {  	(xrf0) =	vadd.scan.msk.s32 $0xffff, v8;
	_ =	sdelay $0x5  }
0x50: {  	v8, _, _ =	vpop (xrf0)  }
0x51: {  	(v2sf) =	vpush v8, $0xF;
	_ =	sdelay $0xd  }
0x52: {  	p0 =	seq.s32 s26, $0x0  }
0x53: {  	s2 =	simm.s32 @!p0 $0x5;
	s0 =	spop (v2sf)  }
0x54: {  	_ =	swait.ge @!p0 [sflag:s2], $0x1000;
	s30 =	sshll.u32 s0, $0x6  }
0x55: {  	[sflag:s2] =	ssyncset.done @!p0 $0x0;
	s30 =	sand.u32 $0x180, s30  }
0x56: {  	[sflag:s2] =	ssyncadd.s32 @!p0 $0xFFFFF000;
	s2 =	sadd.s32 $0x140, s30  }
0x57: {  	v9 =	vld [tilespmem:s2+$0xFFFFFFD0]  }
0x58: {  	v10 =	vld [tilespmem:s2+$0xFFFFFFC0]  }
0x59: {  	v11 =	vld [tilespmem:s2+$0x30]  }
0x5a: {  	v12 =	vld [tilespmem:s2+$0xFFFFFFE0]  }
0x5b: {  	s0 =	sxor.u32 $0xFFFFFFFF, s0;
	v15 =	vld [tilespmem:s2+$0x20]  }
0x5c: {  	s0 =	sshll.u32 s0, $0x4;
	s30 =	simm.s32 $0x0;
	v16 =	vld [tilespmem:s2+$0xFFFFFFF0]  }
0x5d: {  	s0 =	sand.u32 $0x10, s0;
	v17 =	vld [tilespmem:s2+$0x0];
	v13 =	vmov s30;
	s30 =	sadd.s32 $0x200, s2  }
0x5e: {  	v8 =	vmov s0;
	v19 =	vld [tilespmem:s30+$0xFFFFFFD0]  }
0x5f: {  	v20 =	vld [tilespmem:s30+$0xFFFFFFC0];
	v32 =	vshll.u32 v10, v8;
	v10 =	vshrl.u32 v13, $0x7  }
0x60: {  	v33 =	vld [tilespmem:s30+$0x30];
	v10 =	vshll.u32 v10, $0x7  }
0x61: {  	v18 =	vld [tilespmem:s2+$0x10];
	v9 =	vshll.u32 v9, v8;
	v27 =	vshll.u32 v11, v8;
	v24 =	vbroadcast v10, $0x0  }
0x62: {  	v14 =	vshll.u32 v12, v8;
	v11 =	vshll.u32 v17, v8;
	v13 =	vand.u32 $0xFFFF0000, v9  }
0x63: {  	v22 =	vld [tilespmem:s30+$0xFFFFFFE0];
	v9 =	vshll.u32 v15, v8;
	v15 =	vshll.u32 v16, v8;
	v30 =	vor.u32 v0, v24  }
0x64: {  	v23 =	vld [tilespmem:s30+$0x20];
	v16 =	vshll.u32 v20, v8;
	v31 =	vshll.u32 v19, v8;
	v29 =	vor.u32 v1, v24  }
0x65: {  	v21 =	vld [tilespmem:s30+$0xFFFFFFF0];
	v19 =	vshll.u32 v33, v8;
	v32 =	vand.u32 $0xFFFF0000, v32;
	v28 =	vor.u32 v7, v24  }
0x66: {  	v20 =	vld [tilespmem:s30+$0x0];
	v10 =	vshll.u32 v18, v8;
	v25 =	vor.u32 v2, v24;
	v18 =	vor.u32 v3, v24  }
0x67: {  	s31 =	simm.s32 $0x8;
	s0 =	simm.s32 $0x80;
	v12 =	vor.u32 v4, v24;
	v17 =	vor.u32 v5, v24;
	v26 =	vor.u32 v6, v24;
	v24 =	vld [tilespmem:s30+$0x10]  }
.LBB2_3:
0x68: {  	s31 =	sadd.s32 $0x8, s31;
	v33 =	vmov s0;
	v31 =	vand.u32 $0xFFFF0000, v31;
	v22 =	vshll.u32 v22, v8;
	[tilespmem:v30+s14+$0x0] =	vst.idx.msk $0xffff, v32  }
0x69: {  	s30 =	sadd.s32 $0x200, s30;
	v27 =	vand.u32 $0xFFFF0000, v27;
	p1 =	slt.u32 s31, $0xF8;
	v30 =	vshrl.u32 v33, $0x7;
	v23 =	vshll.u32 v23, v8;
	[tilespmem:v29+s14+$0x0] =	vst.idx.msk $0xffff, v13;
	v13 =	vmovc v31  }
0x6a: {  	v31 =	vld [tilespmem:s30+$0xFFFFFFD0];
	v29 =	vshll.u32 v30, $0x7;
	v21 =	vshll.u32 v21, v8;
	v30 =	vand.u32 $0xFFFF0000, v14;
	[tilespmem:v28+s14+$0x0] =	vst.idx.msk $0xffff, v27;
	v14 =	vmovc v22  }
0x6b: {  	v22 =	vand.u32 $0xFFFF0000, v9;
	v9 =	vmovc v23;
	v32 =	vld [tilespmem:s30+$0xFFFFFFC0];
	v33 =	vbroadcast v29, $0x0;
	v20 =	vshll.u32 v20, v8;
	[tilespmem:v25+s14+$0x0] =	vst.idx.msk $0xffff, v30  }
0x6c: {  	v23 =	vand.u32 $0xFFFF0000, v15;
	v27 =	vand.u32 $0xFFFF0000, v10;
	v15 =	vmovc v21;
	v34 =	vld [tilespmem:s30+$0x30];
	v10 =	vshll.u32 v24, v8;
	[tilespmem:v26+s14+$0x0] =	vst.idx.msk $0xffff, v22  }
.Ltmp2:
0x6d: {  	v24 =	vand.u32 $0xFFFF0000, v11;
	v22 =	vld [tilespmem:s30+$0xFFFFFFE0];
	v30 =	vor.u32 v0, v33;
	v29 =	vor.u32 v1, v33;
	[tilespmem:v18+s14+$0x0] =	vst.idx.msk $0xffff, v23;
	(pc) =	sbr.rel @p1 .LBB2_3-.Ltmp2, $4  }
0x6e: {  	v11 =	vmovc v20;
	v25 =	vor.u32 v2, v33;
	v18 =	vor.u32 v3, v33;
	v28 =	vor.u32 v7, v33;
	v23 =	vld [tilespmem:s30+$0x20]  }
0x6f: {  	v35 =	vor.u32 v4, v33;
	v21 =	vld [tilespmem:s30+$0xFFFFFFF0];
	[tilespmem:v17+s14+$0x0] =	vst.idx.msk $0xffff, v27;
	v17 =	vor.u32 v5, v33;
	v27 =	vmov v19  }
0x70: {  	v26 =	vor.u32 v6, v33;
	v36 =	vshll.u32 v32, v8;
	v20 =	vld [tilespmem:s30+$0x0];
	[tilespmem:v12+s14+$0x0] =	vst.idx.msk $0xffff, v24;
	v12 =	vmov v35  }
0x71: {  	s0 =	sadd.s32 $0x80, s0;
	v31 =	vshll.u32 v31, v8;
	v32 =	vand.u32 $0xFFFF0000, v16;
	v24 =	vld [tilespmem:s30+$0x10];
	v19 =	vshll.u32 v34, v8;
	v16 =	vmovc v36  }
0x72: {  	_ =	sdelay $0x1  }
0x73: {  	v33 =	vmov s0  }
0x74: {  	v33 =	vshrl.u32 v33, $0x7  }
0x75: {  	[tilespmem:v30+s14+$0x0] =	vst.idx.msk $0xffff, v32;
	v30 =	vshll.u32 v33, $0x7  }
0x76: {  	[tilespmem:v29+s14+$0x0] =	vst.idx.msk $0xffff, v13;
	v13 =	vand.u32 $0xFFFF0000, v27;
	v27 =	vbroadcast v30, $0x0  }
0x77: {  	v14 =	vand.u32 $0xFFFF0000, v14;
	[tilespmem:v28+s14+$0x0] =	vst.idx.msk $0xffff, v13  }
0x78: {  	v9 =	vand.u32 $0xFFFF0000, v9;
	[tilespmem:v25+s14+$0x0] =	vst.idx.msk $0xffff, v14;
	v13 =	vor.u32 v0, v27  }
0x79: {  	v14 =	vand.u32 $0xFFFF0000, v15;
	[tilespmem:v26+s14+$0x0] =	vst.idx.msk $0xffff, v9;
	v9 =	vor.u32 v1, v27  }
0x7a: {  	v10 =	vand.u32 $0xFFFF0000, v10;
	[tilespmem:v18+s14+$0x0] =	vst.idx.msk $0xffff, v14;
	v14 =	vor.u32 v7, v27  }
0x7b: {  	v11 =	vand.u32 $0xFFFF0000, v11;
	[tilespmem:v17+s14+$0x0] =	vst.idx.msk $0xffff, v10;
	v15 =	vor.u32 v2, v27  }
0x7c: {  	[tilespmem:v12+s14+$0x0] =	vst.idx.msk $0xffff, v11;
	v11 =	vand.u32 $0xFFFF0000, v16;
	v10 =	vor.u32 v6, v27  }
0x7d: {  	v12 =	vand.u32 $0xFFFF0000, v31;
	v16 =	vor.u32 v3, v27;
	[tilespmem:v13+s14+$0x0] =	vst.idx.msk $0xffff, v11  }
0x7e: {  	v17 =	vor.u32 v4, v27;
	v11 =	vshll.u32 v22, v8;
	[tilespmem:v9+s14+$0x0] =	vst.idx.msk $0xffff, v12;
	v9 =	vand.u32 $0xFFFF0000, v19  }
0x7f: {  	v13 =	vor.u32 v5, v27;
	v12 =	vshll.u32 v23, v8;
	v11 =	vand.u32 $0xFFFF0000, v11;
	[tilespmem:v14+s14+$0x0] =	vst.idx.msk $0xffff, v9  }
0x80: {  	v9 =	vshll.u32 v21, v8;
	[tilespmem:v15+s14+$0x0] =	vst.idx.msk $0xffff, v11;
	v11 =	vand.u32 $0xFFFF0000, v12  }
0x81: {  	v12 =	vshll.u32 v24, v8;
	v9 =	vand.u32 $0xFFFF0000, v9;
	v8 =	vshll.u32 v20, v8;
	[tilespmem:v10+s14+$0x0] =	vst.idx.msk $0xffff, v11  }
0x82: {  	s2 =	sadd.s32 s4, s28;
	[tilespmem:v16+s14+$0x0] =	vst.idx.msk $0xffff, v9;
	v8 =	vand.u32 $0xFFFF0000, v8  }
0x83: {  	s0 =	sshll.u32 s2, $0x9;
	v10 =	vand.u32 $0xFFFF0000, v12;
	[tilespmem:v17+s14+$0x0] =	vst.idx.msk $0xffff, v8  }
0x84: {  	p1 =	seq.s32 s26, $0x3F;
	s0 =	sadd.s32 s5, s0;
	[tilespmem:v13+s14+$0x0] =	vst.idx.msk $0xffff, v10  }
0x85: {  	[hbm4b:s0+s3] =	stream.linear.scatter [tilespmem:s14], [sflag:$0x5], $0x1000, $0x38;
	[tilespmem:$0x14100] =	vst v63  }
0x86: {  	s0 =	sadd.s32 @!p1 $0x4, s28  }
0x87: {  	s2 =	sand.u32 @!p1 $0x1F0, s0  }
0x88: {  	v8 =	vld @!p1 [tilespmem:s2+$0x0];
	_ =	sdelay $0x1  }
0x89: {  	s0 =	sand.u32 @!p1 $0xC, s0  }
0x8a: {  	v10 =	vlaneseq.u32 @!p1;
	v9 =	vmov @!p1 s0  }
0x8b: {  	vm4 =	veq.s32 @!p1 v9, v10  }
0x8c: {  	v8 =	vnsel @!p1 vm4, $0x0, v8  }
0x8d: {  	(xrf0) =	vadd.scan.msk.s32 @!p1 $0xffff, v8;
	_ =	sdelay $0x5  }
0x8e: {  	v8, _, _ =	vpop @!p1 (xrf0)  }
0x8f: {  	(v2sf) =	vpush @!p1 v8, $0xF;
	_ =	sdelay $0xe  }
0x90: {  	s0 =	spop @!p1 (v2sf)  }
0x91: {  	s0 =	sshll.u32 @!p1 s0, $0x8  }
0x92: {  	s0 =	sand.u32 @!p1 $0xFFFF800, s0  }
0x93: {  	s30 =	simm.s32 @!p1 $0x100;
	s2 =	simm.s32 @!p1 $0x0;
	s0 =	sadd.s32 @!p1 s1, s0  }
0x94: {  	[tilespmem:s30], [sflag:$0x1] =	stream.linear.gather @!p1 [hbm4b:s0+s2], $0x4000, $0x38;
	[tilespmem:$0x14100] =	vst v63  }
0x95: {  	_ =	swait.ge [sflag:s15], $0x4000  }
0x96: {  	[sflag:s15] =	ssyncset.done $0x0  }
0x97: {  	[sflag:s15] =	ssyncadd.s32 $0xFFFFC000  }
0x98: {  	v8 =	vld [tilespmem:s29+$0x0]  }
0x99: {  	s30 =	sor.u32 $0x1, s28  }
0x9a: {  	s2 =	sand.u32 $0xD, s30  }
0x9b: {  	v9 =	vmov s2  }
0x9c: {  	vm4 =	veq.s32 v9, v0  }
0x9d: {  	v8 =	vnsel vm4, $0x0, v8  }
0x9e: {  	(xrf0) =	vadd.scan.msk.s32 $0xffff, v8;
	_ =	sdelay $0x5  }
0x9f: {  	v8, _, _ =	vpop (xrf0)  }
0xa0: {  	(v2sf) =	vpush v8, $0xF;
	_ =	sdelay $0xe  }
0xa1: {  	s2 =	simm.s32 @!p0 $0x6;
	s0 =	spop (v2sf)  }
0xa2: {  	_ =	swait.ge @!p0 [sflag:s2], $0x1000;
	s31 =	sshll.u32 s0, $0x6  }
0xa3: {  	[sflag:s2] =	ssyncset.done @!p0 $0x0;
	s31 =	sand.u32 $0x180, s31  }
0xa4: {  	[sflag:s2] =	ssyncadd.s32 @!p0 $0xFFFFF000;
	s2 =	sadd.s32 $0x4140, s31  }
0xa5: {  	v9 =	vld [tilespmem:s2+$0xFFFFFFD0]  }
0xa6: {  	v10 =	vld [tilespmem:s2+$0xFFFFFFC0]  }
0xa7: {  	v11 =	vld [tilespmem:s2+$0x30]  }
0xa8: {  	v12 =	vld [tilespmem:s2+$0xFFFFFFE0]  }
0xa9: {  	s0 =	sxor.u32 $0xFFFFFFFF, s0;
	v15 =	vld [tilespmem:s2+$0x20]  }
0xaa: {  	s0 =	sshll.u32 s0, $0x4;
	s31 =	simm.s32 $0x0;
	v16 =	vld [tilespmem:s2+$0xFFFFFFF0]  }
0xab: {  	s0 =	sand.u32 $0x10, s0;
	v17 =	vld [tilespmem:s2+$0x0];
	v13 =	vmov s31;
	s31 =	sadd.s32 $0x200, s2  }
0xac: {  	v8 =	vmov s0;
	v19 =	vld [tilespmem:s31+$0xFFFFFFD0]  }
0xad: {  	v20 =	vld [tilespmem:s31+$0xFFFFFFC0];
	v62 =	vshll.u32 v10, v8;
	v10 =	vshrl.u32 v13, $0x7  }
0xae: {  	v63 =	vld [tilespmem:s31+$0x30];
	v10 =	vshll.u32 v10, $0x7  }
0xaf: {  	v18 =	vld [tilespmem:s2+$0x10];
	v9 =	vshll.u32 v9, v8;
	v27 =	vshll.u32 v11, v8;
	v24 =	vbroadcast v10, $0x0  }
0xb0: {  	v14 =	vshll.u32 v12, v8;
	v11 =	vshll.u32 v17, v8;
	v13 =	vand.u32 $0xFFFF0000, v9  }
0xb1: {  	v22 =	vld [tilespmem:s31+$0xFFFFFFE0];
	v9 =	vshll.u32 v15, v8;
	v15 =	vshll.u32 v16, v8;
	v30 =	vor.u32 v0, v24  }
0xb2: {  	v23 =	vld [tilespmem:s31+$0x20];
	v16 =	vshll.u32 v20, v8;
	v31 =	vshll.u32 v19, v8;
	v29 =	vor.u32 v1, v24  }
0xb3: {  	v21 =	vld [tilespmem:s31+$0xFFFFFFF0];
	v19 =	vshll.u32 v63, v8;
	v32 =	vand.u32 $0xFFFF0000, v62;
	v28 =	vor.u32 v7, v24  }
0xb4: {  	v20 =	vld [tilespmem:s31+$0x0];
	v10 =	vshll.u32 v18, v8;
	v25 =	vor.u32 v2, v24;
	v18 =	vor.u32 v3, v24  }
0xb5: {  	s0 =	simm.s32 $0x8;
	s2 =	simm.s32 $0x80;
	v12 =	vor.u32 v4, v24;
	v17 =	vor.u32 v5, v24;
	v26 =	vor.u32 v6, v24;
	v24 =	vld [tilespmem:s31+$0x10]  }
.LBB2_5:
0xb6: {  	s0 =	sadd.s32 $0x8, s0;
	v33 =	vmov s2;
	v31 =	vand.u32 $0xFFFF0000, v31;
	v22 =	vshll.u32 v22, v8;
	[tilespmem:v30+s16+$0x0] =	vst.idx.msk $0xffff, v32  }
0xb7: {  	s31 =	sadd.s32 $0x200, s31;
	v27 =	vand.u32 $0xFFFF0000, v27;
	p2 =	slt.u32 s0, $0xF8;
	v30 =	vshrl.u32 v33, $0x7;
	v23 =	vshll.u32 v23, v8;
	[tilespmem:v29+s16+$0x0] =	vst.idx.msk $0xffff, v13;
	v13 =	vmovc v31  }
0xb8: {  	v31 =	vld [tilespmem:s31+$0xFFFFFFD0];
	v29 =	vshll.u32 v30, $0x7;
	v21 =	vshll.u32 v21, v8;
	v30 =	vand.u32 $0xFFFF0000, v14;
	[tilespmem:v28+s16+$0x0] =	vst.idx.msk $0xffff, v27;
	v14 =	vmovc v22  }
0xb9: {  	v22 =	vand.u32 $0xFFFF0000, v9;
	v9 =	vmovc v23;
	v32 =	vld [tilespmem:s31+$0xFFFFFFC0];
	v33 =	vbroadcast v29, $0x0;
	v20 =	vshll.u32 v20, v8;
	[tilespmem:v25+s16+$0x0] =	vst.idx.msk $0xffff, v30  }
0xba: {  	v23 =	vand.u32 $0xFFFF0000, v15;
	v27 =	vand.u32 $0xFFFF0000, v10;
	v15 =	vmovc v21;
	v34 =	vld [tilespmem:s31+$0x30];
	v10 =	vshll.u32 v24, v8;
	[tilespmem:v26+s16+$0x0] =	vst.idx.msk $0xffff, v22  }
.Ltmp3:
0xbb: {  	v24 =	vand.u32 $0xFFFF0000, v11;
	v22 =	vld [tilespmem:s31+$0xFFFFFFE0];
	v30 =	vor.u32 v0, v33;
	v29 =	vor.u32 v1, v33;
	[tilespmem:v18+s16+$0x0] =	vst.idx.msk $0xffff, v23;
	(pc) =	sbr.rel @p2 .LBB2_5-.Ltmp3, $4  }
0xbc: {  	v11 =	vmovc v20;
	v25 =	vor.u32 v2, v33;
	v18 =	vor.u32 v3, v33;
	v28 =	vor.u32 v7, v33;
	v23 =	vld [tilespmem:s31+$0x20]  }
0xbd: {  	v35 =	vor.u32 v4, v33;
	v21 =	vld [tilespmem:s31+$0xFFFFFFF0];
	[tilespmem:v17+s16+$0x0] =	vst.idx.msk $0xffff, v27;
	v17 =	vor.u32 v5, v33;
	v27 =	vmov v19  }
0xbe: {  	v26 =	vor.u32 v6, v33;
	v36 =	vshll.u32 v32, v8;
	v20 =	vld [tilespmem:s31+$0x0];
	[tilespmem:v12+s16+$0x0] =	vst.idx.msk $0xffff, v24;
	v12 =	vmov v35  }
0xbf: {  	s2 =	sadd.s32 $0x80, s2;
	v31 =	vshll.u32 v31, v8;
	v32 =	vand.u32 $0xFFFF0000, v16;
	v24 =	vld [tilespmem:s31+$0x10];
	v19 =	vshll.u32 v34, v8;
	v16 =	vmovc v36  }
0xc0: {  	_ =	sdelay $0x1  }
0xc1: {  	v33 =	vmov s2  }
0xc2: {  	v33 =	vshrl.u32 v33, $0x7  }
0xc3: {  	[tilespmem:v30+s16+$0x0] =	vst.idx.msk $0xffff, v32;
	v30 =	vshll.u32 v33, $0x7  }
0xc4: {  	[tilespmem:v29+s16+$0x0] =	vst.idx.msk $0xffff, v13;
	v13 =	vand.u32 $0xFFFF0000, v27;
	v27 =	vbroadcast v30, $0x0  }
0xc5: {  	v14 =	vand.u32 $0xFFFF0000, v14;
	[tilespmem:v28+s16+$0x0] =	vst.idx.msk $0xffff, v13  }
0xc6: {  	v9 =	vand.u32 $0xFFFF0000, v9;
	[tilespmem:v25+s16+$0x0] =	vst.idx.msk $0xffff, v14;
	v13 =	vor.u32 v0, v27  }
0xc7: {  	v14 =	vand.u32 $0xFFFF0000, v15;
	[tilespmem:v26+s16+$0x0] =	vst.idx.msk $0xffff, v9;
	v9 =	vor.u32 v1, v27  }
0xc8: {  	v10 =	vand.u32 $0xFFFF0000, v10;
	[tilespmem:v18+s16+$0x0] =	vst.idx.msk $0xffff, v14;
	v14 =	vor.u32 v7, v27  }
0xc9: {  	v11 =	vand.u32 $0xFFFF0000, v11;
	[tilespmem:v17+s16+$0x0] =	vst.idx.msk $0xffff, v10;
	v15 =	vor.u32 v2, v27  }
0xca: {  	[tilespmem:v12+s16+$0x0] =	vst.idx.msk $0xffff, v11;
	v11 =	vand.u32 $0xFFFF0000, v16;
	v10 =	vor.u32 v6, v27  }
0xcb: {  	v12 =	vand.u32 $0xFFFF0000, v31;
	v16 =	vor.u32 v3, v27;
	[tilespmem:v13+s16+$0x0] =	vst.idx.msk $0xffff, v11  }
0xcc: {  	v17 =	vor.u32 v4, v27;
	v11 =	vshll.u32 v22, v8;
	[tilespmem:v9+s16+$0x0] =	vst.idx.msk $0xffff, v12;
	v9 =	vand.u32 $0xFFFF0000, v19  }
0xcd: {  	v13 =	vor.u32 v5, v27;
	v12 =	vshll.u32 v23, v8;
	v11 =	vand.u32 $0xFFFF0000, v11;
	[tilespmem:v14+s16+$0x0] =	vst.idx.msk $0xffff, v9  }
0xce: {  	v9 =	vshll.u32 v21, v8;
	[tilespmem:v15+s16+$0x0] =	vst.idx.msk $0xffff, v11;
	v11 =	vand.u32 $0xFFFF0000, v12  }
0xcf: {  	v12 =	vshll.u32 v24, v8;
	v9 =	vand.u32 $0xFFFF0000, v9;
	v8 =	vshll.u32 v20, v8;
	[tilespmem:v10+s16+$0x0] =	vst.idx.msk $0xffff, v11  }
0xd0: {  	s0 =	sadd.s32 s4, s30;
	[tilespmem:v16+s16+$0x0] =	vst.idx.msk $0xffff, v9;
	v8 =	vand.u32 $0xFFFF0000, v8  }
0xd1: {  	s0 =	sshll.u32 s0, $0x9;
	v10 =	vand.u32 $0xFFFF0000, v12;
	[tilespmem:v17+s16+$0x0] =	vst.idx.msk $0xffff, v8  }
0xd2: {  	s0 =	sadd.s32 s5, s0;
	[tilespmem:v13+s16+$0x0] =	vst.idx.msk $0xffff, v10  }
0xd3: {  	[hbm4b:s0+s3] =	stream.linear.scatter [tilespmem:s16], [sflag:$0x6], $0x1000, $0x38;
	[tilespmem:$0x14100] =	vst v63  }
0xd4: {  	s0 =	sadd.s32 @!p1 $0x5, s28  }
0xd5: {  	s2 =	sand.u32 @!p1 $0x1F0, s0  }
0xd6: {  	v8 =	vld @!p1 [tilespmem:s2+$0x0];
	_ =	sdelay $0x1  }
0xd7: {  	s0 =	sand.u32 @!p1 $0xD, s0  }
0xd8: {  	v10 =	vlaneseq.u32 @!p1;
	v9 =	vmov @!p1 s0  }
0xd9: {  	vm4 =	veq.s32 @!p1 v9, v10  }
0xda: {  	v8 =	vnsel @!p1 vm4, $0x0, v8  }
0xdb: {  	(xrf0) =	vadd.scan.msk.s32 @!p1 $0xffff, v8;
	_ =	sdelay $0x5  }
0xdc: {  	v8, _, _ =	vpop @!p1 (xrf0)  }
0xdd: {  	(v2sf) =	vpush @!p1 v8, $0xF;
	_ =	sdelay $0xe  }
0xde: {  	s0 =	spop @!p1 (v2sf)  }
0xdf: {  	s0 =	sshll.u32 @!p1 s0, $0x8  }
0xe0: {  	s0 =	sand.u32 @!p1 $0xFFFF800, s0  }
0xe1: {  	s30 =	simm.s32 @!p1 $0x4100;
	s2 =	simm.s32 @!p1 $0x0;
	s0 =	sadd.s32 @!p1 s1, s0  }
0xe2: {  	[tilespmem:s30], [sflag:$0x2] =	stream.linear.gather @!p1 [hbm4b:s0+s2], $0x4000, $0x38;
	[tilespmem:$0x14100] =	vst v63  }
0xe3: {  	_ =	swait.ge [sflag:s17], $0x4000  }
0xe4: {  	[sflag:s17] =	ssyncset.done $0x0  }
0xe5: {  	[sflag:s17] =	ssyncadd.s32 $0xFFFFC000  }
0xe6: {  	v8 =	vld [tilespmem:s29+$0x0]  }
0xe7: {  	s30 =	sor.u32 $0x2, s28  }
0xe8: {  	s2 =	sand.u32 $0xE, s30  }
0xe9: {  	v9 =	vmov s2  }
0xea: {  	vm4 =	veq.s32 v9, v0  }
0xeb: {  	v8 =	vnsel vm4, $0x0, v8  }
0xec: {  	(xrf0) =	vadd.scan.msk.s32 $0xffff, v8;
	_ =	sdelay $0x5  }
0xed: {  	v8, _, _ =	vpop (xrf0)  }
0xee: {  	(v2sf) =	vpush v8, $0xF;
	_ =	sdelay $0xe  }
0xef: {  	s2 =	simm.s32 @!p0 $0x7;
	s0 =	spop (v2sf)  }
0xf0: {  	_ =	swait.ge @!p0 [sflag:s2], $0x1000;
	s31 =	sshll.u32 s0, $0x6  }
0xf1: {  	[sflag:s2] =	ssyncset.done @!p0 $0x0;
	s31 =	sand.u32 $0x180, s31  }
0xf2: {  	[sflag:s2] =	ssyncadd.s32 @!p0 $0xFFFFF000;
	s2 =	sadd.s32 $0x8140, s31  }
0xf3: {  	v9 =	vld [tilespmem:s2+$0xFFFFFFD0]  }
0xf4: {  	v10 =	vld [tilespmem:s2+$0xFFFFFFC0]  }
0xf5: {  	v11 =	vld [tilespmem:s2+$0x30]  }
0xf6: {  	v12 =	vld [tilespmem:s2+$0xFFFFFFE0]  }
0xf7: {  	s0 =	sxor.u32 $0xFFFFFFFF, s0;
	v15 =	vld [tilespmem:s2+$0x20]  }
0xf8: {  	s0 =	sshll.u32 s0, $0x4;
	s31 =	simm.s32 $0x0;
	v16 =	vld [tilespmem:s2+$0xFFFFFFF0]  }
0xf9: {  	s0 =	sand.u32 $0x10, s0;
	v17 =	vld [tilespmem:s2+$0x0];
	v13 =	vmov s31;
	s31 =	sadd.s32 $0x200, s2  }
0xfa: {  	v8 =	vmov s0;
	v19 =	vld [tilespmem:s31+$0xFFFFFFD0]  }
0xfb: {  	v20 =	vld [tilespmem:s31+$0xFFFFFFC0];
	v62 =	vshll.u32 v10, v8;
	v10 =	vshrl.u32 v13, $0x7  }
0xfc: {  	v63 =	vld [tilespmem:s31+$0x30];
	v10 =	vshll.u32 v10, $0x7  }
0xfd: {  	v18 =	vld [tilespmem:s2+$0x10];
	v9 =	vshll.u32 v9, v8;
	v27 =	vshll.u32 v11, v8;
	v24 =	vbroadcast v10, $0x0  }
0xfe: {  	v14 =	vshll.u32 v12, v8;
	v11 =	vshll.u32 v17, v8;
	v13 =	vand.u32 $0xFFFF0000, v9  }
0xff: {  	v22 =	vld [tilespmem:s31+$0xFFFFFFE0];
	v9 =	vshll.u32 v15, v8;
	v15 =	vshll.u32 v16, v8;
	v30 =	vor.u32 v0, v24  }
0x100: {  	v23 =	vld [tilespmem:s31+$0x20];
	v16 =	vshll.u32 v20, v8;
	v31 =	vshll.u32 v19, v8;
	v29 =	vor.u32 v1, v24  }
0x101: {  	v21 =	vld [tilespmem:s31+$0xFFFFFFF0];
	v19 =	vshll.u32 v63, v8;
	v32 =	vand.u32 $0xFFFF0000, v62;
	v28 =	vor.u32 v7, v24  }
0x102: {  	v20 =	vld [tilespmem:s31+$0x0];
	v10 =	vshll.u32 v18, v8;
	v25 =	vor.u32 v2, v24;
	v18 =	vor.u32 v3, v24  }
0x103: {  	s0 =	simm.s32 $0x8;
	s2 =	simm.s32 $0x80;
	v12 =	vor.u32 v4, v24;
	v17 =	vor.u32 v5, v24;
	v26 =	vor.u32 v6, v24;
	v24 =	vld [tilespmem:s31+$0x10]  }
.LBB2_7:
0x104: {  	s0 =	sadd.s32 $0x8, s0;
	v33 =	vmov s2;
	v31 =	vand.u32 $0xFFFF0000, v31;
	v22 =	vshll.u32 v22, v8;
	[tilespmem:v30+s18+$0x0] =	vst.idx.msk $0xffff, v32  }
0x105: {  	s31 =	sadd.s32 $0x200, s31;
	v27 =	vand.u32 $0xFFFF0000, v27;
	p2 =	slt.u32 s0, $0xF8;
	v30 =	vshrl.u32 v33, $0x7;
	v23 =	vshll.u32 v23, v8;
	[tilespmem:v29+s18+$0x0] =	vst.idx.msk $0xffff, v13;
	v13 =	vmovc v31  }
0x106: {  	v31 =	vld [tilespmem:s31+$0xFFFFFFD0];
	v29 =	vshll.u32 v30, $0x7;
	v21 =	vshll.u32 v21, v8;
	v30 =	vand.u32 $0xFFFF0000, v14;
	[tilespmem:v28+s18+$0x0] =	vst.idx.msk $0xffff, v27;
	v14 =	vmovc v22  }
0x107: {  	v22 =	vand.u32 $0xFFFF0000, v9;
	v9 =	vmovc v23;
	v32 =	vld [tilespmem:s31+$0xFFFFFFC0];
	v33 =	vbroadcast v29, $0x0;
	v20 =	vshll.u32 v20, v8;
	[tilespmem:v25+s18+$0x0] =	vst.idx.msk $0xffff, v30  }
0x108: {  	v23 =	vand.u32 $0xFFFF0000, v15;
	v27 =	vand.u32 $0xFFFF0000, v10;
	v15 =	vmovc v21;
	v34 =	vld [tilespmem:s31+$0x30];
	v10 =	vshll.u32 v24, v8;
	[tilespmem:v26+s18+$0x0] =	vst.idx.msk $0xffff, v22  }
.Ltmp4:
0x109: {  	v24 =	vand.u32 $0xFFFF0000, v11;
	v22 =	vld [tilespmem:s31+$0xFFFFFFE0];
	v30 =	vor.u32 v0, v33;
	v29 =	vor.u32 v1, v33;
	[tilespmem:v18+s18+$0x0] =	vst.idx.msk $0xffff, v23;
	(pc) =	sbr.rel @p2 .LBB2_7-.Ltmp4, $4  }
0x10a: {  	v11 =	vmovc v20;
	v25 =	vor.u32 v2, v33;
	v18 =	vor.u32 v3, v33;
	v28 =	vor.u32 v7, v33;
	v23 =	vld [tilespmem:s31+$0x20]  }
0x10b: {  	v35 =	vor.u32 v4, v33;
	v21 =	vld [tilespmem:s31+$0xFFFFFFF0];
	[tilespmem:v17+s18+$0x0] =	vst.idx.msk $0xffff, v27;
	v17 =	vor.u32 v5, v33;
	v27 =	vmov v19  }
0x10c: {  	v26 =	vor.u32 v6, v33;
	v36 =	vshll.u32 v32, v8;
	v20 =	vld [tilespmem:s31+$0x0];
	[tilespmem:v12+s18+$0x0] =	vst.idx.msk $0xffff, v24;
	v12 =	vmov v35  }
0x10d: {  	s2 =	sadd.s32 $0x80, s2;
	v31 =	vshll.u32 v31, v8;
	v32 =	vand.u32 $0xFFFF0000, v16;
	v24 =	vld [tilespmem:s31+$0x10];
	v19 =	vshll.u32 v34, v8;
	v16 =	vmovc v36  }
0x10e: {  	_ =	sdelay $0x1  }
0x10f: {  	v33 =	vmov s2  }
0x110: {  	v33 =	vshrl.u32 v33, $0x7  }
0x111: {  	[tilespmem:v30+s18+$0x0] =	vst.idx.msk $0xffff, v32;
	v30 =	vshll.u32 v33, $0x7  }
0x112: {  	[tilespmem:v29+s18+$0x0] =	vst.idx.msk $0xffff, v13;
	v13 =	vand.u32 $0xFFFF0000, v27;
	v27 =	vbroadcast v30, $0x0  }
0x113: {  	v14 =	vand.u32 $0xFFFF0000, v14;
	[tilespmem:v28+s18+$0x0] =	vst.idx.msk $0xffff, v13  }
0x114: {  	v9 =	vand.u32 $0xFFFF0000, v9;
	[tilespmem:v25+s18+$0x0] =	vst.idx.msk $0xffff, v14;
	v13 =	vor.u32 v0, v27  }
0x115: {  	v14 =	vand.u32 $0xFFFF0000, v15;
	[tilespmem:v26+s18+$0x0] =	vst.idx.msk $0xffff, v9;
	v9 =	vor.u32 v1, v27  }
0x116: {  	v10 =	vand.u32 $0xFFFF0000, v10;
	[tilespmem:v18+s18+$0x0] =	vst.idx.msk $0xffff, v14;
	v14 =	vor.u32 v7, v27  }
0x117: {  	v11 =	vand.u32 $0xFFFF0000, v11;
	[tilespmem:v17+s18+$0x0] =	vst.idx.msk $0xffff, v10;
	v15 =	vor.u32 v2, v27  }
0x118: {  	[tilespmem:v12+s18+$0x0] =	vst.idx.msk $0xffff, v11;
	v11 =	vand.u32 $0xFFFF0000, v16;
	v10 =	vor.u32 v6, v27  }
0x119: {  	v12 =	vand.u32 $0xFFFF0000, v31;
	v16 =	vor.u32 v3, v27;
	[tilespmem:v13+s18+$0x0] =	vst.idx.msk $0xffff, v11  }
0x11a: {  	v17 =	vor.u32 v4, v27;
	v11 =	vshll.u32 v22, v8;
	[tilespmem:v9+s18+$0x0] =	vst.idx.msk $0xffff, v12;
	v9 =	vand.u32 $0xFFFF0000, v19  }
0x11b: {  	v13 =	vor.u32 v5, v27;
	v12 =	vshll.u32 v23, v8;
	v11 =	vand.u32 $0xFFFF0000, v11;
	[tilespmem:v14+s18+$0x0] =	vst.idx.msk $0xffff, v9  }
0x11c: {  	v9 =	vshll.u32 v21, v8;
	[tilespmem:v15+s18+$0x0] =	vst.idx.msk $0xffff, v11;
	v11 =	vand.u32 $0xFFFF0000, v12  }
0x11d: {  	v12 =	vshll.u32 v24, v8;
	v9 =	vand.u32 $0xFFFF0000, v9;
	v8 =	vshll.u32 v20, v8;
	[tilespmem:v10+s18+$0x0] =	vst.idx.msk $0xffff, v11  }
0x11e: {  	s0 =	sadd.s32 s4, s30;
	[tilespmem:v16+s18+$0x0] =	vst.idx.msk $0xffff, v9;
	v8 =	vand.u32 $0xFFFF0000, v8  }
0x11f: {  	s0 =	sshll.u32 s0, $0x9;
	v10 =	vand.u32 $0xFFFF0000, v12;
	[tilespmem:v17+s18+$0x0] =	vst.idx.msk $0xffff, v8  }
0x120: {  	s0 =	sadd.s32 s5, s0;
	[tilespmem:v13+s18+$0x0] =	vst.idx.msk $0xffff, v10  }
0x121: {  	[hbm4b:s0+s3] =	stream.linear.scatter [tilespmem:s18], [sflag:$0x7], $0x1000, $0x38;
	[tilespmem:$0x14100] =	vst v63  }
0x122: {  	s0 =	sadd.s32 @!p1 $0x6, s28  }
0x123: {  	s2 =	sand.u32 @!p1 $0x1F0, s0  }
0x124: {  	v8 =	vld @!p1 [tilespmem:s2+$0x0];
	_ =	sdelay $0x1  }
0x125: {  	s0 =	sand.u32 @!p1 $0xE, s0  }
0x126: {  	v10 =	vlaneseq.u32 @!p1;
	v9 =	vmov @!p1 s0  }
0x127: {  	vm4 =	veq.s32 @!p1 v9, v10  }
0x128: {  	v8 =	vnsel @!p1 vm4, $0x0, v8  }
0x129: {  	(xrf0) =	vadd.scan.msk.s32 @!p1 $0xffff, v8;
	_ =	sdelay $0x5  }
0x12a: {  	v8, _, _ =	vpop @!p1 (xrf0)  }
0x12b: {  	(v2sf) =	vpush @!p1 v8, $0xF;
	_ =	sdelay $0xe  }
0x12c: {  	s0 =	spop @!p1 (v2sf)  }
0x12d: {  	s0 =	sshll.u32 @!p1 s0, $0x8  }
0x12e: {  	s0 =	sand.u32 @!p1 $0xFFFF800, s0  }
0x12f: {  	s30 =	simm.s32 @!p1 $0x8100;
	s2 =	simm.s32 @!p1 $0x0;
	s0 =	sadd.s32 @!p1 s1, s0  }
0x130: {  	[tilespmem:s30], [sflag:$0x3] =	stream.linear.gather @!p1 [hbm4b:s0+s2], $0x4000, $0x38;
	[tilespmem:$0x14100] =	vst v63  }
0x131: {  	_ =	swait.ge [sflag:s19], $0x4000  }
0x132: {  	[sflag:s19] =	ssyncset.done $0x0  }
0x133: {  	[sflag:s19] =	ssyncadd.s32 $0xFFFFC000  }
0x134: {  	v8 =	vld [tilespmem:s29+$0x0]  }
0x135: {  	s29 =	sor.u32 $0x3, s28  }
0x136: {  	s2 =	sand.u32 $0xF, s29  }
0x137: {  	v9 =	vmov s2  }
0x138: {  	vm4 =	veq.s32 v9, v0  }
0x139: {  	v8 =	vnsel vm4, $0x0, v8  }
0x13a: {  	(xrf0) =	vadd.scan.msk.s32 $0xffff, v8;
	_ =	sdelay $0x5  }
0x13b: {  	v8, _, _ =	vpop (xrf0)  }
0x13c: {  	(v2sf) =	vpush v8, $0xF;
	_ =	sdelay $0xe  }
0x13d: {  	s2 =	simm.s32 @!p0 $0x8;
	s0 =	spop (v2sf)  }
0x13e: {  	_ =	swait.ge @!p0 [sflag:s2], $0x1000;
	s30 =	sshll.u32 s0, $0x6  }
0x13f: {  	[sflag:s2] =	ssyncset.done @!p0 $0x0;
	s30 =	sand.u32 $0x180, s30  }
0x140: {  	[sflag:s2] =	ssyncadd.s32 @!p0 $0xFFFFF000;
	s31 =	sadd.s32 $0xC140, s30  }
0x141: {  	v9 =	vld [tilespmem:s31+$0xFFFFFFD0]  }
0x142: {  	v10 =	vld [tilespmem:s31+$0xFFFFFFC0]  }
0x143: {  	v11 =	vld [tilespmem:s31+$0x30]  }
0x144: {  	v12 =	vld [tilespmem:s31+$0xFFFFFFE0]  }
0x145: {  	s0 =	sxor.u32 $0xFFFFFFFF, s0;
	v15 =	vld [tilespmem:s31+$0x20]  }
0x146: {  	s0 =	sshll.u32 s0, $0x4;
	s30 =	simm.s32 $0x0;
	v16 =	vld [tilespmem:s31+$0xFFFFFFF0]  }
0x147: {  	s0 =	sand.u32 $0x10, s0;
	v17 =	vld [tilespmem:s31+$0x0];
	v13 =	vmov s30;
	s30 =	sadd.s32 $0x200, s31  }
0x148: {  	v8 =	vmov s0;
	v19 =	vld [tilespmem:s30+$0xFFFFFFD0]  }
0x149: {  	v20 =	vld [tilespmem:s30+$0xFFFFFFC0];
	v62 =	vshll.u32 v10, v8;
	v10 =	vshrl.u32 v13, $0x7  }
0x14a: {  	v63 =	vld [tilespmem:s30+$0x30];
	v10 =	vshll.u32 v10, $0x7  }
0x14b: {  	v18 =	vld [tilespmem:s31+$0x10];
	v9 =	vshll.u32 v9, v8;
	v27 =	vshll.u32 v11, v8;
	v24 =	vbroadcast v10, $0x0  }
0x14c: {  	v14 =	vshll.u32 v12, v8;
	v11 =	vshll.u32 v17, v8;
	v13 =	vand.u32 $0xFFFF0000, v9  }
0x14d: {  	v22 =	vld [tilespmem:s30+$0xFFFFFFE0];
	v9 =	vshll.u32 v15, v8;
	v15 =	vshll.u32 v16, v8;
	v30 =	vor.u32 v0, v24  }
0x14e: {  	v23 =	vld [tilespmem:s30+$0x20];
	v16 =	vshll.u32 v20, v8;
	v31 =	vshll.u32 v19, v8;
	v29 =	vor.u32 v1, v24  }
0x14f: {  	v21 =	vld [tilespmem:s30+$0xFFFFFFF0];
	v19 =	vshll.u32 v63, v8;
	v32 =	vand.u32 $0xFFFF0000, v62;
	v28 =	vor.u32 v7, v24  }
0x150: {  	v20 =	vld [tilespmem:s30+$0x0];
	v10 =	vshll.u32 v18, v8;
	v25 =	vor.u32 v2, v24;
	v18 =	vor.u32 v3, v24  }
0x151: {  	s2 =	simm.s32 $0x80;
	s0 =	simm.s32 $0x8;
	v12 =	vor.u32 v4, v24;
	v17 =	vor.u32 v5, v24;
	v26 =	vor.u32 v6, v24;
	v24 =	vld [tilespmem:s30+$0x10]  }
.LBB2_9:
0x152: {  	s0 =	sadd.s32 $0x8, s0;
	v33 =	vmov s2;
	v31 =	vand.u32 $0xFFFF0000, v31;
	v22 =	vshll.u32 v22, v8;
	[tilespmem:v30+s20+$0x0] =	vst.idx.msk $0xffff, v32  }
0x153: {  	s30 =	sadd.s32 $0x200, s30;
	v27 =	vand.u32 $0xFFFF0000, v27;
	p0 =	slt.u32 s0, $0xF8;
	v30 =	vshrl.u32 v33, $0x7;
	v23 =	vshll.u32 v23, v8;
	[tilespmem:v29+s20+$0x0] =	vst.idx.msk $0xffff, v13;
	v13 =	vmovc v31  }
0x154: {  	v31 =	vld [tilespmem:s30+$0xFFFFFFD0];
	v29 =	vshll.u32 v30, $0x7;
	v21 =	vshll.u32 v21, v8;
	v30 =	vand.u32 $0xFFFF0000, v14;
	[tilespmem:v28+s20+$0x0] =	vst.idx.msk $0xffff, v27;
	v14 =	vmovc v22  }
0x155: {  	v22 =	vand.u32 $0xFFFF0000, v9;
	v9 =	vmovc v23;
	v32 =	vld [tilespmem:s30+$0xFFFFFFC0];
	v33 =	vbroadcast v29, $0x0;
	v20 =	vshll.u32 v20, v8;
	[tilespmem:v25+s20+$0x0] =	vst.idx.msk $0xffff, v30  }
0x156: {  	v23 =	vand.u32 $0xFFFF0000, v15;
	v27 =	vand.u32 $0xFFFF0000, v10;
	v15 =	vmovc v21;
	v34 =	vld [tilespmem:s30+$0x30];
	v10 =	vshll.u32 v24, v8;
	[tilespmem:v26+s20+$0x0] =	vst.idx.msk $0xffff, v22  }
.Ltmp5:
0x157: {  	v24 =	vand.u32 $0xFFFF0000, v11;
	v22 =	vld [tilespmem:s30+$0xFFFFFFE0];
	v30 =	vor.u32 v0, v33;
	v29 =	vor.u32 v1, v33;
	[tilespmem:v18+s20+$0x0] =	vst.idx.msk $0xffff, v23;
	(pc) =	sbr.rel @p0 .LBB2_9-.Ltmp5, $4  }
0x158: {  	v11 =	vmovc v20;
	v25 =	vor.u32 v2, v33;
	v18 =	vor.u32 v3, v33;
	v28 =	vor.u32 v7, v33;
	v23 =	vld [tilespmem:s30+$0x20]  }
0x159: {  	v35 =	vor.u32 v4, v33;
	v21 =	vld [tilespmem:s30+$0xFFFFFFF0];
	[tilespmem:v17+s20+$0x0] =	vst.idx.msk $0xffff, v27;
	v17 =	vor.u32 v5, v33;
	v27 =	vmov v19  }
0x15a: {  	v26 =	vor.u32 v6, v33;
	v36 =	vshll.u32 v32, v8;
	v20 =	vld [tilespmem:s30+$0x0];
	[tilespmem:v12+s20+$0x0] =	vst.idx.msk $0xffff, v24;
	v12 =	vmov v35  }
0x15b: {  	s2 =	sadd.s32 $0x80, s2;
	v31 =	vshll.u32 v31, v8;
	v32 =	vand.u32 $0xFFFF0000, v16;
	v24 =	vld [tilespmem:s30+$0x10];
	v19 =	vshll.u32 v34, v8;
	v16 =	vmovc v36  }
0x15c: {  	_ =	sdelay $0x1  }
0x15d: {  	v33 =	vmov s2  }
0x15e: {  	v33 =	vshrl.u32 v33, $0x7  }
0x15f: {  	[tilespmem:v30+s20+$0x0] =	vst.idx.msk $0xffff, v32;
	v43 =	vshll.u32 v33, $0x7  }
0x160: {  	[tilespmem:v29+s20+$0x0] =	vst.idx.msk $0xffff, v13;
	v44 =	vand.u32 $0xFFFF0000, v27;
	v45 =	vbroadcast v43, $0x0  }
0x161: {  	v14 =	vand.u32 $0xFFFF0000, v14;
	[tilespmem:v28+s20+$0x0] =	vst.idx.msk $0xffff, v44  }
0x162: {  	v9 =	vand.u32 $0xFFFF0000, v9;
	[tilespmem:v25+s20+$0x0] =	vst.idx.msk $0xffff, v14;
	v46 =	vor.u32 v0, v45  }
0x163: {  	v47 =	vand.u32 $0xFFFF0000, v15;
	[tilespmem:v26+s20+$0x0] =	vst.idx.msk $0xffff, v9;
	v48 =	vor.u32 v1, v45  }
0x164: {  	v10 =	vand.u32 $0xFFFF0000, v10;
	[tilespmem:v18+s20+$0x0] =	vst.idx.msk $0xffff, v47;
	v49 =	vor.u32 v7, v45  }
0x165: {  	v11 =	vand.u32 $0xFFFF0000, v11;
	[tilespmem:v17+s20+$0x0] =	vst.idx.msk $0xffff, v10;
	v50 =	vor.u32 v2, v45  }
0x166: {  	v52 =	vand.u32 $0xFFFF0000, v16;
	[tilespmem:v12+s20+$0x0] =	vst.idx.msk $0xffff, v11;
	v51 =	vor.u32 v6, v45  }
0x167: {  	v53 =	vand.u32 $0xFFFF0000, v31;
	v54 =	vor.u32 v3, v45;
	[tilespmem:v46+s20+$0x0] =	vst.idx.msk $0xffff, v52  }
0x168: {  	v55 =	vshll.u32 v22, v8;
	v57 =	vand.u32 $0xFFFF0000, v19;
	v56 =	vor.u32 v5, v45;
	[tilespmem:v48+s20+$0x0] =	vst.idx.msk $0xffff, v53  }
0x169: {  	v58 =	vshll.u32 v23, v8;
	v11 =	vand.u32 $0xFFFF0000, v55;
	v59 =	vor.u32 v4, v45;
	[tilespmem:v49+s20+$0x0] =	vst.idx.msk $0xffff, v57  }
0x16a: {  	v60 =	vshll.u32 v21, v8;
	v61 =	vand.u32 $0xFFFF0000, v58;
	[tilespmem:v50+s20+$0x0] =	vst.idx.msk $0xffff, v11  }
.Ltmp6:
0x16b: {  	v9 =	vand.u32 $0xFFFF0000, v60;
	v62 =	vshll.u32 v24, v8;
	[tilespmem:v51+s20+$0x0] =	vst.idx.msk $0xffff, v61;
	(pc) =	sbr.rel @p1 .LBB2_12-.Ltmp6, $4  }
0x16c: {  	s0 =	sadd.s32 s4, s29;
	v8 =	vshll.u32 v20, v8;
	v63 =	vand.u32 $0xFFFF0000, v62;
	[tilespmem:v54+s20+$0x0] =	vst.idx.msk $0xffff, v9  }
0x16d: {  	s0 =	sshll.u32 s0, $0x9;
	v8 =	vand.u32 $0xFFFF0000, v8;
	[tilespmem:v56+s20+$0x0] =	vst.idx.msk $0xffff, v63  }
0x16e: {  	s0 =	sadd.s32 s5, s0;
	[tilespmem:v59+s20+$0x0] =	vst.idx.msk $0xffff, v8  }
0x16f: {  	[hbm4b:s0+s3] =	stream.linear.scatter [tilespmem:s20], [sflag:$0x8], $0x1000, $0x38;
	[tilespmem:$0x14100] =	vst v63  }
0x170: {  	s0 =	sadd.s32 $0x7, s28  }
0x171: {  	s2 =	sand.u32 $0x1F0, s0  }
0x172: {  	v8 =	vld [tilespmem:s2+$0x0];
	_ =	sdelay $0x1  }
0x173: {  	s0 =	sand.u32 $0xF, s0  }
0x174: {  	v9 =	vmov s0  }
0x175: {  	vm4 =	veq.s32 v9, v0  }
0x176: {  	v8 =	vnsel vm4, $0x0, v8  }
0x177: {  	(xrf0) =	vadd.scan.msk.s32 $0xffff, v8;
	_ =	sdelay $0x5  }
0x178: {  	v8, _, _ =	vpop (xrf0)  }
0x179: {  	(v2sf) =	vpush v8, $0xF;
	_ =	sdelay $0xe  }
.Ltmp7:
0x17a: {  	s31 =	spop (v2sf);
	(pc) =	sbr.rel .LBB2_2-.Ltmp7, $4  }
0x17b: {  	s0 =	sshll.u32 s31, $0x8  }
0x17c: {  	s0 =	sand.u32 $0xFFFF800, s0  }
0x17d: {  	s26 =	sadd.s32 $0x1, s26;
	s0 =	sadd.s32 s1, s0  }
0x17e: {  	[tilespmem:s12], [sflag:$0x4] =	stream.linear.gather [hbm4b:s0+s3], $0x4000, $0x38;
	[tilespmem:$0x14100] =	vst v63  }
.LBB2_13:
0x17f: {  	_ =	sfence.sel $0x180000  }
0x180: {  	[bflag:$0x0] =	sbarrier.arrive $0xFFFF  }
0x181: {  	_ =	strace $0x90000047  }
0x182: {  	s0 =	stileid.u32;
	[bflag:$0x2] =	sbarrier.arrive $0xFFFF  }
0x183: {  	p0 =	sne.s32 s0, $0x0;
	s0 =	rddreg [dreg:$0x3]  }
0x184: {  	s0 =	sadd.s32 @!p0 $0x100000, s0  }
0x185: {  	[sflag:s0] =	ssyncadd.tile.s32 @!p0 $0x1;
	_ =	shalt  }
.Lfunc_end2:
_tile_overlayer_lowered:
.L_overlay_start_2:
0x186: {  	(tag) =	ssettag $0x2  }
0x187: {  	s0 =	rddreg [dreg:$0x0];
	s2 =	stileid.u32  }
0x188: {  	s1 =	rddreg [dreg:$0x1];
	p0 =	sne.s32 s2, $0x0  }
0x189: {  	s3 =	rddreg [dreg:$0x2];
	[bflag:$0x3] =	sbarrier.arrive $0xFFFF;
	s2 =	simm.s32 @!p0 $0x1C09  }
0x18a: {  	[timem:s3], [sflag:s2] =	dma.local @!p0 [hbm:s0], s1  }
0x18b: {  	s0 =	simm.s32 @!p0 $0x9  }
0x18c: {  	_ =	swait.ge @!p0 [sflag:s0], s1  }
0x18d: {  	s1 =	ssub.s32 @!p0 $0x0, s1;
	[sflag:s0] =	ssyncset.done @!p0 $0x0  }
0x18e: {  	[sflag:s0] =	ssyncadd.s32 @!p0 s1  }
0x18f: {  	[bflag:$0x3] =	sbarrier.arrive $0xFFFF  }
0x190: {  	_ =	shalt  }

</sc_bundles>
